<compile_context>
chip_gen: v7x
topology: tpu7x:2x2x1
jax: 0.10.2.dev20260603
libtpu: 0.0.44.dev20260713+nightly
codegen_flags: <defaults>
</compile_context>

<pallas_src>
import functools

import jax
import jax.numpy as jnp
from jax import lax
from jax.experimental import pallas as pl
from jax.experimental.pallas import tpu as pltpu
from jax.experimental.pallas import tpu_sc as plsc

N, S, C = 256, 64, 128
NC = 2
NS = 16
NW = NC * NS
NPW = N // NW

_DN = lax.GatherDimensionNumbers(offset_dims=(), collapsed_slice_dims=(0,),
                                 start_index_map=(0,))


def _perm(v, idx):
    return lax.gather(v, idx[:, None], _DN, (1,),
                      mode=lax.GatherScatterMode.PROMISE_IN_BOUNDS)


def _splat(v, i, lane):
    return _perm(v, lane * 0 + i)


def _allmax(v, lane):
    for j in (1, 2, 4, 8):
        v = jnp.maximum(v, _perm(v, lane ^ j))
    return v


def _allsum(v, lane):
    for j in (1, 2, 4, 8):
        v = v + _perm(v, lane ^ j)
    return v


def _sc_body(logits_hbm, target_hbm, rc_hbm, tn_hbm, cn_hbm, mask_hbm,
             rw_hbm, out_hbm, lbuf, rcbuf, tbuf, cnbuf, tnbuf, mbuf, rwbuf,
             obuf):
    wid = lax.axis_index("s") * NC + lax.axis_index("c")
    n0 = wid * NPW
    r0 = n0 * S

    pltpu.sync_copy(target_hbm.at[pl.ds(r0, NPW * S)], tbuf)
    pltpu.sync_copy(cn_hbm.at[pl.ds(r0, NPW * S)], cnbuf)
    pltpu.sync_copy(tn_hbm.at[pl.ds(n0, NPW)], tnbuf.at[pl.ds(0, NPW)])
    pltpu.sync_copy(mask_hbm.at[pl.ds(r0, NPW * S)], mbuf)
    pltpu.sync_copy(rw_hbm.at[pl.ds(r0, NPW * S)], rwbuf)

    lane = lax.iota(jnp.int32, 16)
    tn_all = tnbuf[...]

    def tile_loop(ni, carry):
        acc0, accm0 = carry
        pltpu.sync_copy(logits_hbm.at[pl.ds((n0 + ni) * S * C, S * C)], lbuf)
        pltpu.sync_copy(rc_hbm.at[pl.ds((n0 + ni) * S * C, S * C)], rcbuf)
        tn_v = _splat(tn_all, ni, lane)

        def s_body(s, carry2):
            acc, accm = carry2
            blk = ni * S + (s & ~15)
            sl = s & 15
            t_v = _splat(tbuf[pl.ds(blk, 16)], sl, lane)
            cn_v = _splat(cnbuf[pl.ds(blk, 16)], sl, lane)
            rw_v = _splat(rwbuf[pl.ds(blk, 16)], sl, lane)
            m_v = _splat(mbuf[pl.ds(blk, 16)], sl, lane)
            cn_eff = jnp.where(s < tn_v, cn_v, 0)

            win = jnp.full((16,), -1, jnp.int32)
            val_v = jnp.zeros((16,), jnp.float32)
            for j in range(C // 16):
                gidx = lane + j * 16
                rc16 = rcbuf[pl.ds(s * C + j * 16, 16)]
                l16 = lbuf[pl.ds(s * C + j * 16, 16)]
                m = (rc16 == t_v) & (gidx < cn_eff)
                first = m & (win < 0)
                win = jnp.where(first, gidx, win)
                val_v = jnp.where(first, l16, val_v)
            wmax = _allmax(jnp.where(win < 0, -1, C - win), lane)
            sel_w = (C - win == wmax) & (wmax >= 0)
            val = _allsum(jnp.where(sel_w, val_v, 0.0), lane)
            return acc + val * rw_v, accm + m_v / 16.0

        return lax.fori_loop(0, S, s_body, (acc0, accm0))

    acc, accm = lax.fori_loop(
        0, NPW, tile_loop,
        (jnp.zeros((16,), jnp.float32), jnp.zeros((16,), jnp.float32)))

    obuf[pl.ds(0, 16)] = acc / 16.0
    obuf[pl.ds(16, 16)] = accm
    pltpu.sync_copy(obuf, out_hbm.at[wid])


def _tc_reduce_body(x_ref, o_ref):
    x = x_ref[...]
    col = lax.broadcasted_iota(jnp.int32, x.shape, 1)
    num = jnp.sum(jnp.where(col < 16, x, 0.0))
    den = jnp.sum(jnp.where(col >= 16, x, 0.0))
    o_ref[0, 0] = -num / den


def kernel(logits, target, rel_candidate, rel_wordlist_num, target_num,
           rel_candidate_num, mask, rel_weight):
    del rel_wordlist_num

    mesh = plsc.VectorSubcoreMesh(core_axis_name="c", subcore_axis_name="s")
    sc_kernel = functools.partial(
        pl.kernel,
        out_type=jax.ShapeDtypeStruct((NW, 32), jnp.float32),
        mesh=mesh,
        scratch_types=[
            pltpu.VMEM((S * C,), jnp.float32),
            pltpu.VMEM((S * C,), jnp.int32),
            pltpu.VMEM((NPW * S,), jnp.int32),
            pltpu.VMEM((NPW * S,), jnp.int32),
            pltpu.VMEM((16,), jnp.int32),
            pltpu.VMEM((NPW * S,), jnp.float32),
            pltpu.VMEM((NPW * S,), jnp.float32),
            pltpu.VMEM((32,), jnp.float32),
        ],
    )(_sc_body)
    partials = sc_kernel(
        logits.reshape(N * S * C), target.reshape(N * S),
        rel_candidate.reshape(N * S * C), target_num,
        rel_candidate_num.reshape(N * S), mask.reshape(N * S),
        rel_weight.reshape(N * S))

    out = pl.pallas_call(
        _tc_reduce_body,
        out_specs=pl.BlockSpec(memory_space=pltpu.SMEM),
        out_shape=jax.ShapeDtypeStruct((1, 1), jnp.float32),
    )(partials)
    return out[0, 0]

# --- scband reference (transcript-rebuilt; emitter-appended) ---
"""Pipeline reference for scband-language-model-criterion-82102594831150 (READ-ONLY COPY).

The authoritative reference and input builder live on the scoring server;
editing this copy changes nothing except your own understanding.
"""

import jax, jax.numpy as jnp
import numpy as np


def setup_inputs(seed: int = 0) -> dict:
    key = jax.random.key(seed)
    ks = jax.random.split(key, 8)
    N, S, C, V = 256, 64, 128, 1000
    logits = jax.random.normal(ks[0], (N, S, C), dtype=jnp.float32)
    target = jax.random.randint(ks[1], (N, S), 0, V)
    rel_candidate = jax.random.randint(ks[2], (N, S, C), 0, V)
    target_num = jax.random.randint(ks[3], (N,), 0, S)
    rel_candidate_num = jax.random.randint(ks[4], (N, S), 0, C)
    mask = jax.random.uniform(ks[5], (N, S), dtype=jnp.float32)
    rel_weight = jax.random.uniform(ks[6], (N, S), dtype=jnp.float32)
    return {"logits": logits, "target": target, "rel_candidate": rel_candidate,
            "rel_wordlist_num": V, "target_num": target_num,
            "rel_candidate_num": rel_candidate_num, "mask": mask, "rel_weight": rel_weight}


def reference(logits, target, rel_candidate, rel_wordlist_num, target_num, rel_candidate_num, mask, rel_weight):
    N, S, C = logits.shape
    V = 1000
    bs = jnp.arange(N)[:, None, None]
    rel = jnp.arange(S)[None, :, None]
    cand = jnp.arange(C)[None, None, :]
    # valid entries: rel_id < target_num[bs] and cand_id < rel_candidate_num[bs, rel_id]
    valid = (rel < target_num[:, None, None]) & (cand < rel_candidate_num[:, :, None])
    # invalid entries scattered into an extra dummy column V, sliced off afterwards
    idx = jnp.where(valid, rel_candidate, rel_wordlist_num)
    logits_full = jnp.zeros((N, S, V + 1), dtype=logits.dtype)
    logits_full = logits_full.at[bs, rel, idx].set(logits)[..., :V]
    logits_flat = logits_full.reshape(-1, V)
    target_flat = target[:, :S].reshape(-1)
    mask_flat = mask.reshape(-1)
    rw_flat = rel_weight.reshape(-1)
    # NLLLoss(reduce=False): loss[i] = -input[i, target[i]]
    loss = -jnp.take_along_axis(logits_flat, target_flat[:, None], axis=1)[:, 0]
    output = jnp.sum(loss * rw_flat) / jnp.sum(mask_flat)
    return output

if __name__ == "__main__":
    import jax
    _d = setup_inputs()
    print(jax.jit(kernel)(*tuple(_d.values())))

</pallas_src>

<mosaic_0001>
#map = affine_map<(d0, d1) -> (0)>
#map1 = affine_map<(d0, d1) -> (0, 0)>
module attributes {stable_mosaic.version = 14 : i64} {
  func.func @_sc_body(%arg0: i32, %arg1: i32, %arg2: memref<2097152xf32, #tpu.memory_space<hbm>>, %arg3: memref<16384xi32, #tpu.memory_space<hbm>>, %arg4: memref<2097152xi32, #tpu.memory_space<hbm>>, %arg5: memref<256xi32, #tpu.memory_space<hbm>>, %arg6: memref<16384xi32, #tpu.memory_space<hbm>>, %arg7: memref<16384xf32, #tpu.memory_space<hbm>>, %arg8: memref<16384xf32, #tpu.memory_space<hbm>>, %arg9: memref<32x32xf32, #tpu.memory_space<hbm>>, %arg10: memref<8192xf32, #tpu.memory_space<vmem>>, %arg11: memref<8192xi32, #tpu.memory_space<vmem>>, %arg12: memref<512xi32, #tpu.memory_space<vmem>>, %arg13: memref<512xi32, #tpu.memory_space<vmem>>, %arg14: memref<16xi32, #tpu.memory_space<vmem>>, %arg15: memref<512xf32, #tpu.memory_space<vmem>>, %arg16: memref<512xf32, #tpu.memory_space<vmem>>, %arg17: memref<32xf32, #tpu.memory_space<vmem>>) attributes {dimension_semantics = [#tpu.dimension_semantics<core_parallel>, #tpu.dimension_semantics<subcore_parallel>], iteration_bounds = array<i64: 2, 16>, scalar_prefetch = 0 : i64, scratch_operands = 8 : i64, tpu.core_type = #tpu.core_type<sc_vector_subcore>, window_params = [{transform_indices = #map}, {transform_indices = #map}, {transform_indices = #map}, {transform_indices = #map}, {transform_indices = #map}, {transform_indices = #map}, {transform_indices = #map}, {transform_indices = #map1}]} {
    %mul3A = arith.constant 2 : i32
    %mul3A_0 = arith.muli %arg1, %mul3A : i32
    %add3A = arith.addi %mul3A_0, %arg0 : i32
    %mul3A_1 = arith.constant 8 : i32
    %mul3A_2 = arith.muli %add3A, %mul3A_1 : i32
    %mul3A_3 = arith.constant 64 : i32
    %mul3A_4 = arith.muli %mul3A_2, %mul3A_3 : i32
    "tpu.region"() ({
      %run_scoped3A = tpu.sem_alloc : memref<!tpu.dma_semaphore, #tpu.memory_space<semaphore_mem>>
      %dma_start3A = tpu.memref_slice %arg3[%mul3A_4] : memref<16384xi32, #tpu.memory_space<hbm>> -> memref<512xi32, #tpu.memory_space<hbm>>
      %dma_start3A_24 = tpu.memref_slice %arg3[%mul3A_4] : memref<16384xi32, #tpu.memory_space<hbm>> -> memref<512xi32, #tpu.memory_space<hbm>>
      tpu.enqueue_dma source(%dma_start3A_24 : memref<512xi32, #tpu.memory_space<hbm>>) target(%arg12 : memref<512xi32, #tpu.memory_space<vmem>>) target_semaphore(%run_scoped3A : memref<!tpu.dma_semaphore, #tpu.memory_space<semaphore_mem>>)
      %dma_wait3A = tpu.memref_slice %arg3[%mul3A_4] : memref<16384xi32, #tpu.memory_space<hbm>> -> memref<512xi32, #tpu.memory_space<hbm>>
      %dma_wait3A_25 = tpu.memref_slice %arg3[%mul3A_4] : memref<16384xi32, #tpu.memory_space<hbm>> -> memref<512xi32, #tpu.memory_space<hbm>>
      tpu.wait_dma2 semaphore(%run_scoped3A : memref<!tpu.dma_semaphore, #tpu.memory_space<semaphore_mem>>) src(%dma_wait3A_25 : memref<512xi32, #tpu.memory_space<hbm>>) dst(%arg12 : memref<512xi32, #tpu.memory_space<vmem>>)
      tpu.yield
    }) : () -> ()
    "tpu.region"() ({
      %run_scoped3A = tpu.sem_alloc : memref<!tpu.dma_semaphore, #tpu.memory_space<semaphore_mem>>
      %dma_start3A = tpu.memref_slice %arg6[%mul3A_4] : memref<16384xi32, #tpu.memory_space<hbm>> -> memref<512xi32, #tpu.memory_space<hbm>>
      %dma_start3A_24 = tpu.memref_slice %arg6[%mul3A_4] : memref<16384xi32, #tpu.memory_space<hbm>> -> memref<512xi32, #tpu.memory_space<hbm>>
      tpu.enqueue_dma source(%dma_start3A_24 : memref<512xi32, #tpu.memory_space<hbm>>) target(%arg13 : memref<512xi32, #tpu.memory_space<vmem>>) target_semaphore(%run_scoped3A : memref<!tpu.dma_semaphore, #tpu.memory_space<semaphore_mem>>)
      %dma_wait3A = tpu.memref_slice %arg6[%mul3A_4] : memref<16384xi32, #tpu.memory_space<hbm>> -> memref<512xi32, #tpu.memory_space<hbm>>
      %dma_wait3A_25 = tpu.memref_slice %arg6[%mul3A_4] : memref<16384xi32, #tpu.memory_space<hbm>> -> memref<512xi32, #tpu.memory_space<hbm>>
      tpu.wait_dma2 semaphore(%run_scoped3A : memref<!tpu.dma_semaphore, #tpu.memory_space<semaphore_mem>>) src(%dma_wait3A_25 : memref<512xi32, #tpu.memory_space<hbm>>) dst(%arg13 : memref<512xi32, #tpu.memory_space<vmem>>)
      tpu.yield
    }) : () -> ()
    "tpu.region"() ({
      %run_scoped3A = tpu.sem_alloc : memref<!tpu.dma_semaphore, #tpu.memory_space<semaphore_mem>>
      %dma_start3A = arith.constant 0 : i32
      %dma_start3A_24 = tpu.memref_slice %arg14[%dma_start3A] : memref<16xi32, #tpu.memory_space<vmem>> -> memref<8xi32, #tpu.memory_space<vmem>>
      %dma_start3A_25 = tpu.memref_slice %arg5[%mul3A_2] : memref<256xi32, #tpu.memory_space<hbm>> -> memref<8xi32, #tpu.memory_space<hbm>>
      %dma_start3A_26 = arith.constant 0 : i32
      %dma_start3A_27 = tpu.memref_slice %arg14[%dma_start3A_26] : memref<16xi32, #tpu.memory_space<vmem>> -> memref<8xi32, #tpu.memory_space<vmem>>
      %dma_start3A_28 = tpu.memref_slice %arg5[%mul3A_2] : memref<256xi32, #tpu.memory_space<hbm>> -> memref<8xi32, #tpu.memory_space<hbm>>
      tpu.enqueue_dma source(%dma_start3A_28 : memref<8xi32, #tpu.memory_space<hbm>>) target(%dma_start3A_27 : memref<8xi32, #tpu.memory_space<vmem>>) target_semaphore(%run_scoped3A : memref<!tpu.dma_semaphore, #tpu.memory_space<semaphore_mem>>)
      %dma_wait3A = arith.constant 0 : i32
      %dma_wait3A_29 = tpu.memref_slice %arg14[%dma_wait3A] : memref<16xi32, #tpu.memory_space<vmem>> -> memref<8xi32, #tpu.memory_space<vmem>>
      %dma_wait3A_30 = tpu.memref_slice %arg5[%mul3A_2] : memref<256xi32, #tpu.memory_space<hbm>> -> memref<8xi32, #tpu.memory_space<hbm>>
      %dma_wait3A_31 = arith.constant 0 : i32
      %dma_wait3A_32 = tpu.memref_slice %arg14[%dma_wait3A_31] : memref<16xi32, #tpu.memory_space<vmem>> -> memref<8xi32, #tpu.memory_space<vmem>>
      %dma_wait3A_33 = tpu.memref_slice %arg5[%mul3A_2] : memref<256xi32, #tpu.memory_space<hbm>> -> memref<8xi32, #tpu.memory_space<hbm>>
      tpu.wait_dma2 semaphore(%run_scoped3A : memref<!tpu.dma_semaphore, #tpu.memory_space<semaphore_mem>>) src(%dma_wait3A_33 : memref<8xi32, #tpu.memory_space<hbm>>) dst(%dma_wait3A_32 : memref<8xi32, #tpu.memory_space<vmem>>)
      tpu.yield
    }) : () -> ()
    "tpu.region"() ({
      %run_scoped3A = tpu.sem_alloc : memref<!tpu.dma_semaphore, #tpu.memory_space<semaphore_mem>>
      %dma_start3A = tpu.memref_slice %arg7[%mul3A_4] : memref<16384xf32, #tpu.memory_space<hbm>> -> memref<512xf32, #tpu.memory_space<hbm>>
      %dma_start3A_24 = tpu.memref_slice %arg7[%mul3A_4] : memref<16384xf32, #tpu.memory_space<hbm>> -> memref<512xf32, #tpu.memory_space<hbm>>
      tpu.enqueue_dma source(%dma_start3A_24 : memref<512xf32, #tpu.memory_space<hbm>>) target(%arg15 : memref<512xf32, #tpu.memory_space<vmem>>) target_semaphore(%run_scoped3A : memref<!tpu.dma_semaphore, #tpu.memory_space<semaphore_mem>>)
      %dma_wait3A = tpu.memref_slice %arg7[%mul3A_4] : memref<16384xf32, #tpu.memory_space<hbm>> -> memref<512xf32, #tpu.memory_space<hbm>>
      %dma_wait3A_25 = tpu.memref_slice %arg7[%mul3A_4] : memref<16384xf32, #tpu.memory_space<hbm>> -> memref<512xf32, #tpu.memory_space<hbm>>
      tpu.wait_dma2 semaphore(%run_scoped3A : memref<!tpu.dma_semaphore, #tpu.memory_space<semaphore_mem>>) src(%dma_wait3A_25 : memref<512xf32, #tpu.memory_space<hbm>>) dst(%arg15 : memref<512xf32, #tpu.memory_space<vmem>>)
      tpu.yield
    }) : () -> ()
    "tpu.region"() ({
      %run_scoped3A = tpu.sem_alloc : memref<!tpu.dma_semaphore, #tpu.memory_space<semaphore_mem>>
      %dma_start3A = tpu.memref_slice %arg8[%mul3A_4] : memref<16384xf32, #tpu.memory_space<hbm>> -> memref<512xf32, #tpu.memory_space<hbm>>
      %dma_start3A_24 = tpu.memref_slice %arg8[%mul3A_4] : memref<16384xf32, #tpu.memory_space<hbm>> -> memref<512xf32, #tpu.memory_space<hbm>>
      tpu.enqueue_dma source(%dma_start3A_24 : memref<512xf32, #tpu.memory_space<hbm>>) target(%arg16 : memref<512xf32, #tpu.memory_space<vmem>>) target_semaphore(%run_scoped3A : memref<!tpu.dma_semaphore, #tpu.memory_space<semaphore_mem>>)
      %dma_wait3A = tpu.memref_slice %arg8[%mul3A_4] : memref<16384xf32, #tpu.memory_space<hbm>> -> memref<512xf32, #tpu.memory_space<hbm>>
      %dma_wait3A_25 = tpu.memref_slice %arg8[%mul3A_4] : memref<16384xf32, #tpu.memory_space<hbm>> -> memref<512xf32, #tpu.memory_space<hbm>>
      tpu.wait_dma2 semaphore(%run_scoped3A : memref<!tpu.dma_semaphore, #tpu.memory_space<semaphore_mem>>) src(%dma_wait3A_25 : memref<512xf32, #tpu.memory_space<hbm>>) dst(%arg16 : memref<512xf32, #tpu.memory_space<vmem>>)
      tpu.yield
    }) : () -> ()
    %iota3A = tpu.iota {dimensions = array<i32: 0>} : vector<16xi32>
    %get3A = arith.constant 0 : index
    %get3A_5 = tpu.vector_load %arg14[%get3A] {strides = array<i32>} : memref<16xi32, #tpu.memory_space<vmem>>, vector<16xi32>,
    %get3A_6 = vector.shape_cast %get3A_5 : vector<16xi32> to vector<16xi32>
    %broadcast_in_dim3A = arith.constant 0.000000e+00 : f32
    %broadcast_in_dim3A_7 = vector.broadcast %broadcast_in_dim3A : f32 to vector<16xf32>
    %broadcast_in_dim3A_8 = arith.constant 0.000000e+00 : f32
    %broadcast_in_dim3A_9 = vector.broadcast %broadcast_in_dim3A_8 : f32 to vector<16xf32>
    %scan3A = arith.constant 0 : i32
    %scan3A_10 = arith.constant 8 : i32
    %scan3A_11 = arith.addi %scan3A, %scan3A_10 : i32
    %scan3A_12 = arith.constant 1 : i32
    %scan3A_13:2 = scf.for %scan3A_24 = %scan3A to %scan3A_11 step %scan3A_12 iter_args(%scan3A_25 = %broadcast_in_dim3A_7, %scan3A_26 = %broadcast_in_dim3A_9) -> (vector<16xf32>, vector<16xf32>)  : i32 {
      %add3A_27 = arith.addi %mul3A_2, %scan3A_24 : i32
      %mul3A_28 = arith.constant 64 : i32
      %mul3A_29 = arith.muli %add3A_27, %mul3A_28 : i32
      %mul3A_30 = arith.constant 128 : i32
      %mul3A_31 = arith.muli %mul3A_29, %mul3A_30 : i32
      "tpu.region"() ({
        %run_scoped3A = tpu.sem_alloc : memref<!tpu.dma_semaphore, #tpu.memory_space<semaphore_mem>>
        %dma_start3A = tpu.memref_slice %arg2[%mul3A_31] : memref<2097152xf32, #tpu.memory_space<hbm>> -> memref<8192xf32, #tpu.memory_space<hbm>>
        %dma_start3A_50 = tpu.memref_slice %arg2[%mul3A_31] : memref<2097152xf32, #tpu.memory_space<hbm>> -> memref<8192xf32, #tpu.memory_space<hbm>>
        tpu.enqueue_dma source(%dma_start3A_50 : memref<8192xf32, #tpu.memory_space<hbm>>) target(%arg10 : memref<8192xf32, #tpu.memory_space<vmem>>) target_semaphore(%run_scoped3A : memref<!tpu.dma_semaphore, #tpu.memory_space<semaphore_mem>>)
        %dma_wait3A = tpu.memref_slice %arg2[%mul3A_31] : memref<2097152xf32, #tpu.memory_space<hbm>> -> memref<8192xf32, #tpu.memory_space<hbm>>
        %dma_wait3A_51 = tpu.memref_slice %arg2[%mul3A_31] : memref<2097152xf32, #tpu.memory_space<hbm>> -> memref<8192xf32, #tpu.memory_space<hbm>>
        tpu.wait_dma2 semaphore(%run_scoped3A : memref<!tpu.dma_semaphore, #tpu.memory_space<semaphore_mem>>) src(%dma_wait3A_51 : memref<8192xf32, #tpu.memory_space<hbm>>) dst(%arg10 : memref<8192xf32, #tpu.memory_space<vmem>>)
        tpu.yield
      }) : () -> ()
      %add3A_32 = arith.addi %mul3A_2, %scan3A_24 : i32
      %mul3A_33 = arith.constant 64 : i32
      %mul3A_34 = arith.muli %add3A_32, %mul3A_33 : i32
      %mul3A_35 = arith.constant 128 : i32
      %mul3A_36 = arith.muli %mul3A_34, %mul3A_35 : i32
      "tpu.region"() ({
        %run_scoped3A = tpu.sem_alloc : memref<!tpu.dma_semaphore, #tpu.memory_space<semaphore_mem>>
        %dma_start3A = tpu.memref_slice %arg4[%mul3A_36] : memref<2097152xi32, #tpu.memory_space<hbm>> -> memref<8192xi32, #tpu.memory_space<hbm>>
        %dma_start3A_50 = tpu.memref_slice %arg4[%mul3A_36] : memref<2097152xi32, #tpu.memory_space<hbm>> -> memref<8192xi32, #tpu.memory_space<hbm>>
        tpu.enqueue_dma source(%dma_start3A_50 : memref<8192xi32, #tpu.memory_space<hbm>>) target(%arg11 : memref<8192xi32, #tpu.memory_space<vmem>>) target_semaphore(%run_scoped3A : memref<!tpu.dma_semaphore, #tpu.memory_space<semaphore_mem>>)
        %dma_wait3A = tpu.memref_slice %arg4[%mul3A_36] : memref<2097152xi32, #tpu.memory_space<hbm>> -> memref<8192xi32, #tpu.memory_space<hbm>>
        %dma_wait3A_51 = tpu.memref_slice %arg4[%mul3A_36] : memref<2097152xi32, #tpu.memory_space<hbm>> -> memref<8192xi32, #tpu.memory_space<hbm>>
        tpu.wait_dma2 semaphore(%run_scoped3A : memref<!tpu.dma_semaphore, #tpu.memory_space<semaphore_mem>>) src(%dma_wait3A_51 : memref<8192xi32, #tpu.memory_space<hbm>>) dst(%arg11 : memref<8192xi32, #tpu.memory_space<vmem>>)
        tpu.yield
      }) : () -> ()
      %mul3A_37 = arith.constant 0 : i32
      %mul3A_38 = vector.broadcast %mul3A_37 : i32 to vector<16xi32>
      %mul3A_39 = arith.muli %iota3A, %mul3A_38 : vector<16xi32>
      %add3A_40 = vector.broadcast %scan3A_24 : i32 to vector<16xi32>
      %add3A_41 = arith.addi %mul3A_39, %add3A_40 : vector<16xi32>
      %broadcast_in_dim3A_42 = vector.shape_cast %add3A_41 : vector<16xi32> to vector<16x1xi32>
      %gather3A = vector.shape_cast %broadcast_in_dim3A_42 : vector<16x1xi32> to vector<16xi32>
      %gather3A_43 = tpu.dynamic_gather %get3A_6[%gather3A] in [0] : vector<16xi32>, vector<16xi32> -> vector<16xi32>
      %scan3A_44 = arith.constant 0 : i32
      %scan3A_45 = arith.constant 64 : i32
      %scan3A_46 = arith.addi %scan3A_44, %scan3A_45 : i32
      %scan3A_47 = arith.constant 1 : i32
      %scan3A_48:2 = scf.for %scan3A_50 = %scan3A_44 to %scan3A_46 step %scan3A_47 iter_args(%scan3A_51 = %scan3A_25, %scan3A_52 = %scan3A_26) -> (vector<16xf32>, vector<16xf32>)  : i32 {
        %mul3A_53 = arith.constant 64 : i32
        %mul3A_54 = arith.muli %scan3A_24, %mul3A_53 : i32
        %and3A = arith.constant -16 : i32
        %and3A_55 = arith.andi %scan3A_50, %and3A : i32
        %add3A_56 = arith.addi %mul3A_54, %and3A_55 : i32
        %and3A_57 = arith.constant 15 : i32
        %and3A_58 = arith.andi %scan3A_50, %and3A_57 : i32
        %get3A_59 = arith.index_cast %add3A_56 : i32 to index
        %get3A_60 = tpu.vector_load %arg12[%get3A_59] {strides = array<i32>} : memref<512xi32, #tpu.memory_space<vmem>>, vector<16xi32>,
        %get3A_61 = vector.shape_cast %get3A_60 : vector<16xi32> to vector<16xi32>
        %mul3A_62 = arith.constant 0 : i32
        %mul3A_63 = vector.broadcast %mul3A_62 : i32 to vector<16xi32>
        %mul3A_64 = arith.muli %iota3A, %mul3A_63 : vector<16xi32>
        %add3A_65 = vector.broadcast %and3A_58 : i32 to vector<16xi32>
        %add3A_66 = arith.addi %mul3A_64, %add3A_65 : vector<16xi32>
        %broadcast_in_dim3A_67 = vector.shape_cast %add3A_66 : vector<16xi32> to vector<16x1xi32>
        %gather3A_68 = vector.shape_cast %broadcast_in_dim3A_67 : vector<16x1xi32> to vector<16xi32>
        %gather3A_69 = tpu.dynamic_gather %get3A_61[%gather3A_68] in [0] : vector<16xi32>, vector<16xi32> -> vector<16xi32>
        %get3A_70 = arith.index_cast %add3A_56 : i32 to index
        %get3A_71 = tpu.vector_load %arg13[%get3A_70] {strides = array<i32>} : memref<512xi32, #tpu.memory_space<vmem>>, vector<16xi32>,
        %get3A_72 = vector.shape_cast %get3A_71 : vector<16xi32> to vector<16xi32>
        %mul3A_73 = arith.constant 0 : i32
        %mul3A_74 = vector.broadcast %mul3A_73 : i32 to vector<16xi32>
        %mul3A_75 = arith.muli %iota3A, %mul3A_74 : vector<16xi32>
        %add3A_76 = vector.broadcast %and3A_58 : i32 to vector<16xi32>
        %add3A_77 = arith.addi %mul3A_75, %add3A_76 : vector<16xi32>
        %broadcast_in_dim3A_78 = vector.shape_cast %add3A_77 : vector<16xi32> to vector<16x1xi32>
        %gather3A_79 = vector.shape_cast %broadcast_in_dim3A_78 : vector<16x1xi32> to vector<16xi32>
        %gather3A_80 = tpu.dynamic_gather %get3A_72[%gather3A_79] in [0] : vector<16xi32>, vector<16xi32> -> vector<16xi32>
        %get3A_81 = arith.index_cast %add3A_56 : i32 to index
        %get3A_82 = tpu.vector_load %arg16[%get3A_81] {strides = array<i32>} : memref<512xf32, #tpu.memory_space<vmem>>, vector<16xf32>,
        %get3A_83 = vector.shape_cast %get3A_82 : vector<16xf32> to vector<16xf32>
        %mul3A_84 = arith.constant 0 : i32
        %mul3A_85 = vector.broadcast %mul3A_84 : i32 to vector<16xi32>
        %mul3A_86 = arith.muli %iota3A, %mul3A_85 : vector<16xi32>
        %add3A_87 = vector.broadcast %and3A_58 : i32 to vector<16xi32>
        %add3A_88 = arith.addi %mul3A_86, %add3A_87 : vector<16xi32>
        %broadcast_in_dim3A_89 = vector.shape_cast %add3A_88 : vector<16xi32> to vector<16x1xi32>
        %gather3A_90 = vector.shape_cast %broadcast_in_dim3A_89 : vector<16x1xi32> to vector<16xi32>
        %gather3A_91 = tpu.dynamic_gather %get3A_83[%gather3A_90] in [0] : vector<16xf32>, vector<16xi32> -> vector<16xf32>
        %get3A_92 = arith.index_cast %add3A_56 : i32 to index
        %get3A_93 = tpu.vector_load %arg15[%get3A_92] {strides = array<i32>} : memref<512xf32, #tpu.memory_space<vmem>>, vector<16xf32>,
        %get3A_94 = vector.shape_cast %get3A_93 : vector<16xf32> to vector<16xf32>
        %mul3A_95 = arith.constant 0 : i32
        %mul3A_96 = vector.broadcast %mul3A_95 : i32 to vector<16xi32>
        %mul3A_97 = arith.muli %iota3A, %mul3A_96 : vector<16xi32>
        %add3A_98 = vector.broadcast %and3A_58 : i32 to vector<16xi32>
        %add3A_99 = arith.addi %mul3A_97, %add3A_98 : vector<16xi32>
        %broadcast_in_dim3A_100 = vector.shape_cast %add3A_99 : vector<16xi32> to vector<16x1xi32>
        %gather3A_101 = vector.shape_cast %broadcast_in_dim3A_100 : vector<16x1xi32> to vector<16xi32>
        %gather3A_102 = tpu.dynamic_gather %get3A_94[%gather3A_101] in [0] : vector<16xf32>, vector<16xi32> -> vector<16xf32>
        %lt3A = vector.broadcast %scan3A_50 : i32 to vector<16xi32>
        %lt3A_103 = arith.cmpi slt, %lt3A, %gather3A_43 : vector<16xi32>
        %jit3A = arith.constant 0 : i32
        %broadcast_in_dim3A_104 = vector.broadcast %jit3A : i32 to vector<16xi32>
        %select_n3A = arith.select %lt3A_103, %gather3A_80, %broadcast_in_dim3A_104 : vector<16xi1>, vector<16xi32>
        %broadcast_in_dim3A_105 = arith.constant -1 : i32
        %broadcast_in_dim3A_106 = vector.broadcast %broadcast_in_dim3A_105 : i32 to vector<16xi32>
        %broadcast_in_dim3A_107 = arith.constant 0.000000e+00 : f32
        %broadcast_in_dim3A_108 = vector.broadcast %broadcast_in_dim3A_107 : f32 to vector<16xf32>
        %add3A_109 = arith.constant 0 : i32
        %add3A_110 = vector.broadcast %add3A_109 : i32 to vector<16xi32>
        %add3A_111 = arith.addi %iota3A, %add3A_110 : vector<16xi32>
        %mul3A_112 = arith.constant 128 : i32
        %mul3A_113 = arith.muli %scan3A_50, %mul3A_112 : i32
        %add3A_114 = arith.constant 0 : i32
        %add3A_115 = arith.addi %mul3A_113, %add3A_114 : i32
        %get3A_116 = arith.index_cast %add3A_115 : i32 to index
        %get3A_117 = tpu.vector_load %arg11[%get3A_116] {strides = array<i32>} : memref<8192xi32, #tpu.memory_space<vmem>>, vector<16xi32>,
        %get3A_118 = vector.shape_cast %get3A_117 : vector<16xi32> to vector<16xi32>
        %mul3A_119 = arith.constant 128 : i32
        %mul3A_120 = arith.muli %scan3A_50, %mul3A_119 : i32
        %add3A_121 = arith.constant 0 : i32
        %add3A_122 = arith.addi %mul3A_120, %add3A_121 : i32
        %get3A_123 = arith.index_cast %add3A_122 : i32 to index
        %get3A_124 = tpu.vector_load %arg10[%get3A_123] {strides = array<i32>} : memref<8192xf32, #tpu.memory_space<vmem>>, vector<16xf32>,
        %get3A_125 = vector.shape_cast %get3A_124 : vector<16xf32> to vector<16xf32>
        %eq3A = arith.cmpi eq, %get3A_118, %gather3A_69 : vector<16xi32>
        %lt3A_126 = arith.cmpi slt, %add3A_111, %select_n3A : vector<16xi32>
        %and3A_127 = arith.andi %eq3A, %lt3A_126 : vector<16xi1>
        %lt3A_128 = arith.constant 0 : i32
        %lt3A_129 = vector.broadcast %lt3A_128 : i32 to vector<16xi32>
        %lt3A_130 = arith.cmpi slt, %broadcast_in_dim3A_106, %lt3A_129 : vector<16xi32>
        %and3A_131 = arith.andi %and3A_127, %lt3A_130 : vector<16xi1>
        %select_n3A_132 = arith.select %and3A_131, %add3A_111, %broadcast_in_dim3A_106 : vector<16xi1>, vector<16xi32>
        %select_n3A_133 = arith.select %and3A_131, %get3A_125, %broadcast_in_dim3A_108 : vector<16xi1>, vector<16xf32>
        %add3A_134 = arith.constant 16 : i32
        %add3A_135 = vector.broadcast %add3A_134 : i32 to vector<16xi32>
        %add3A_136 = arith.addi %iota3A, %add3A_135 : vector<16xi32>
        %mul3A_137 = arith.constant 128 : i32
        %mul3A_138 = arith.muli %scan3A_50, %mul3A_137 : i32
        %add3A_139 = arith.constant 16 : i32
        %add3A_140 = arith.addi %mul3A_138, %add3A_139 : i32
        %get3A_141 = arith.index_cast %add3A_140 : i32 to index
        %get3A_142 = tpu.vector_load %arg11[%get3A_141] {strides = array<i32>} : memref<8192xi32, #tpu.memory_space<vmem>>, vector<16xi32>,
        %get3A_143 = vector.shape_cast %get3A_142 : vector<16xi32> to vector<16xi32>
        %mul3A_144 = arith.constant 128 : i32
        %mul3A_145 = arith.muli %scan3A_50, %mul3A_144 : i32
        %add3A_146 = arith.constant 16 : i32
        %add3A_147 = arith.addi %mul3A_145, %add3A_146 : i32
        %get3A_148 = arith.index_cast %add3A_147 : i32 to index
        %get3A_149 = tpu.vector_load %arg10[%get3A_148] {strides = array<i32>} : memref<8192xf32, #tpu.memory_space<vmem>>, vector<16xf32>,
        %get3A_150 = vector.shape_cast %get3A_149 : vector<16xf32> to vector<16xf32>
        %eq3A_151 = arith.cmpi eq, %get3A_143, %gather3A_69 : vector<16xi32>
        %lt3A_152 = arith.cmpi slt, %add3A_136, %select_n3A : vector<16xi32>
        %and3A_153 = arith.andi %eq3A_151, %lt3A_152 : vector<16xi1>
        %lt3A_154 = arith.constant 0 : i32
        %lt3A_155 = vector.broadcast %lt3A_154 : i32 to vector<16xi32>
        %lt3A_156 = arith.cmpi slt, %select_n3A_132, %lt3A_155 : vector<16xi32>
        %and3A_157 = arith.andi %and3A_153, %lt3A_156 : vector<16xi1>
        %select_n3A_158 = arith.select %and3A_157, %add3A_136, %select_n3A_132 : vector<16xi1>, vector<16xi32>
        %select_n3A_159 = arith.select %and3A_157, %get3A_150, %select_n3A_133 : vector<16xi1>, vector<16xf32>
        %add3A_160 = arith.constant 32 : i32
        %add3A_161 = vector.broadcast %add3A_160 : i32 to vector<16xi32>
        %add3A_162 = arith.addi %iota3A, %add3A_161 : vector<16xi32>
        %mul3A_163 = arith.constant 128 : i32
        %mul3A_164 = arith.muli %scan3A_50, %mul3A_163 : i32
        %add3A_165 = arith.constant 32 : i32
        %add3A_166 = arith.addi %mul3A_164, %add3A_165 : i32
        %get3A_167 = arith.index_cast %add3A_166 : i32 to index
        %get3A_168 = tpu.vector_load %arg11[%get3A_167] {strides = array<i32>} : memref<8192xi32, #tpu.memory_space<vmem>>, vector<16xi32>,
        %get3A_169 = vector.shape_cast %get3A_168 : vector<16xi32> to vector<16xi32>
        %mul3A_170 = arith.constant 128 : i32
        %mul3A_171 = arith.muli %scan3A_50, %mul3A_170 : i32
        %add3A_172 = arith.constant 32 : i32
        %add3A_173 = arith.addi %mul3A_171, %add3A_172 : i32
        %get3A_174 = arith.index_cast %add3A_173 : i32 to index
        %get3A_175 = tpu.vector_load %arg10[%get3A_174] {strides = array<i32>} : memref<8192xf32, #tpu.memory_space<vmem>>, vector<16xf32>,
        %get3A_176 = vector.shape_cast %get3A_175 : vector<16xf32> to vector<16xf32>
        %eq3A_177 = arith.cmpi eq, %get3A_169, %gather3A_69 : vector<16xi32>
        %lt3A_178 = arith.cmpi slt, %add3A_162, %select_n3A : vector<16xi32>
        %and3A_179 = arith.andi %eq3A_177, %lt3A_178 : vector<16xi1>
        %lt3A_180 = arith.constant 0 : i32
        %lt3A_181 = vector.broadcast %lt3A_180 : i32 to vector<16xi32>
        %lt3A_182 = arith.cmpi slt, %select_n3A_158, %lt3A_181 : vector<16xi32>
        %and3A_183 = arith.andi %and3A_179, %lt3A_182 : vector<16xi1>
        %select_n3A_184 = arith.select %and3A_183, %add3A_162, %select_n3A_158 : vector<16xi1>, vector<16xi32>
        %select_n3A_185 = arith.select %and3A_183, %get3A_176, %select_n3A_159 : vector<16xi1>, vector<16xf32>
        %add3A_186 = arith.constant 48 : i32
        %add3A_187 = vector.broadcast %add3A_186 : i32 to vector<16xi32>
        %add3A_188 = arith.addi %iota3A, %add3A_187 : vector<16xi32>
        %mul3A_189 = arith.constant 128 : i32
        %mul3A_190 = arith.muli %scan3A_50, %mul3A_189 : i32
        %add3A_191 = arith.constant 48 : i32
        %add3A_192 = arith.addi %mul3A_190, %add3A_191 : i32
        %get3A_193 = arith.index_cast %add3A_192 : i32 to index
        %get3A_194 = tpu.vector_load %arg11[%get3A_193] {strides = array<i32>} : memref<8192xi32, #tpu.memory_space<vmem>>, vector<16xi32>,
        %get3A_195 = vector.shape_cast %get3A_194 : vector<16xi32> to vector<16xi32>
        %mul3A_196 = arith.constant 128 : i32
        %mul3A_197 = arith.muli %scan3A_50, %mul3A_196 : i32
        %add3A_198 = arith.constant 48 : i32
        %add3A_199 = arith.addi %mul3A_197, %add3A_198 : i32
        %get3A_200 = arith.index_cast %add3A_199 : i32 to index
        %get3A_201 = tpu.vector_load %arg10[%get3A_200] {strides = array<i32>} : memref<8192xf32, #tpu.memory_space<vmem>>, vector<16xf32>,
        %get3A_202 = vector.shape_cast %get3A_201 : vector<16xf32> to vector<16xf32>
        %eq3A_203 = arith.cmpi eq, %get3A_195, %gather3A_69 : vector<16xi32>
        %lt3A_204 = arith.cmpi slt, %add3A_188, %select_n3A : vector<16xi32>
        %and3A_205 = arith.andi %eq3A_203, %lt3A_204 : vector<16xi1>
        %lt3A_206 = arith.constant 0 : i32
        %lt3A_207 = vector.broadcast %lt3A_206 : i32 to vector<16xi32>
        %lt3A_208 = arith.cmpi slt, %select_n3A_184, %lt3A_207 : vector<16xi32>
        %and3A_209 = arith.andi %and3A_205, %lt3A_208 : vector<16xi1>
        %select_n3A_210 = arith.select %and3A_209, %add3A_188, %select_n3A_184 : vector<16xi1>, vector<16xi32>
        %select_n3A_211 = arith.select %and3A_209, %get3A_202, %select_n3A_185 : vector<16xi1>, vector<16xf32>
        %add3A_212 = arith.constant 64 : i32
        %add3A_213 = vector.broadcast %add3A_212 : i32 to vector<16xi32>
        %add3A_214 = arith.addi %iota3A, %add3A_213 : vector<16xi32>
        %mul3A_215 = arith.constant 128 : i32
        %mul3A_216 = arith.muli %scan3A_50, %mul3A_215 : i32
        %add3A_217 = arith.constant 64 : i32
        %add3A_218 = arith.addi %mul3A_216, %add3A_217 : i32
        %get3A_219 = arith.index_cast %add3A_218 : i32 to index
        %get3A_220 = tpu.vector_load %arg11[%get3A_219] {strides = array<i32>} : memref<8192xi32, #tpu.memory_space<vmem>>, vector<16xi32>,
        %get3A_221 = vector.shape_cast %get3A_220 : vector<16xi32> to vector<16xi32>
        %mul3A_222 = arith.constant 128 : i32
        %mul3A_223 = arith.muli %scan3A_50, %mul3A_222 : i32
        %add3A_224 = arith.constant 64 : i32
        %add3A_225 = arith.addi %mul3A_223, %add3A_224 : i32
        %get3A_226 = arith.index_cast %add3A_225 : i32 to index
        %get3A_227 = tpu.vector_load %arg10[%get3A_226] {strides = array<i32>} : memref<8192xf32, #tpu.memory_space<vmem>>, vector<16xf32>,
        %get3A_228 = vector.shape_cast %get3A_227 : vector<16xf32> to vector<16xf32>
        %eq3A_229 = arith.cmpi eq, %get3A_221, %gather3A_69 : vector<16xi32>
        %lt3A_230 = arith.cmpi slt, %add3A_214, %select_n3A : vector<16xi32>
        %and3A_231 = arith.andi %eq3A_229, %lt3A_230 : vector<16xi1>
        %lt3A_232 = arith.constant 0 : i32
        %lt3A_233 = vector.broadcast %lt3A_232 : i32 to vector<16xi32>
        %lt3A_234 = arith.cmpi slt, %select_n3A_210, %lt3A_233 : vector<16xi32>
        %and3A_235 = arith.andi %and3A_231, %lt3A_234 : vector<16xi1>
        %select_n3A_236 = arith.select %and3A_235, %add3A_214, %select_n3A_210 : vector<16xi1>, vector<16xi32>
        %select_n3A_237 = arith.select %and3A_235, %get3A_228, %select_n3A_211 : vector<16xi1>, vector<16xf32>
        %add3A_238 = arith.constant 80 : i32
        %add3A_239 = vector.broadcast %add3A_238 : i32 to vector<16xi32>
        %add3A_240 = arith.addi %iota3A, %add3A_239 : vector<16xi32>
        %mul3A_241 = arith.constant 128 : i32
        %mul3A_242 = arith.muli %scan3A_50, %mul3A_241 : i32
        %add3A_243 = arith.constant 80 : i32
        %add3A_244 = arith.addi %mul3A_242, %add3A_243 : i32
        %get3A_245 = arith.index_cast %add3A_244 : i32 to index
        %get3A_246 = tpu.vector_load %arg11[%get3A_245] {strides = array<i32>} : memref<8192xi32, #tpu.memory_space<vmem>>, vector<16xi32>,
        %get3A_247 = vector.shape_cast %get3A_246 : vector<16xi32> to vector<16xi32>
        %mul3A_248 = arith.constant 128 : i32
        %mul3A_249 = arith.muli %scan3A_50, %mul3A_248 : i32
        %add3A_250 = arith.constant 80 : i32
        %add3A_251 = arith.addi %mul3A_249, %add3A_250 : i32
        %get3A_252 = arith.index_cast %add3A_251 : i32 to index
        %get3A_253 = tpu.vector_load %arg10[%get3A_252] {strides = array<i32>} : memref<8192xf32, #tpu.memory_space<vmem>>, vector<16xf32>,
        %get3A_254 = vector.shape_cast %get3A_253 : vector<16xf32> to vector<16xf32>
        %eq3A_255 = arith.cmpi eq, %get3A_247, %gather3A_69 : vector<16xi32>
        %lt3A_256 = arith.cmpi slt, %add3A_240, %select_n3A : vector<16xi32>
        %and3A_257 = arith.andi %eq3A_255, %lt3A_256 : vector<16xi1>
        %lt3A_258 = arith.constant 0 : i32
        %lt3A_259 = vector.broadcast %lt3A_258 : i32 to vector<16xi32>
        %lt3A_260 = arith.cmpi slt, %select_n3A_236, %lt3A_259 : vector<16xi32>
        %and3A_261 = arith.andi %and3A_257, %lt3A_260 : vector<16xi1>
        %select_n3A_262 = arith.select %and3A_261, %add3A_240, %select_n3A_236 : vector<16xi1>, vector<16xi32>
        %select_n3A_263 = arith.select %and3A_261, %get3A_254, %select_n3A_237 : vector<16xi1>, vector<16xf32>
        %add3A_264 = arith.constant 96 : i32
        %add3A_265 = vector.broadcast %add3A_264 : i32 to vector<16xi32>
        %add3A_266 = arith.addi %iota3A, %add3A_265 : vector<16xi32>
        %mul3A_267 = arith.constant 128 : i32
        %mul3A_268 = arith.muli %scan3A_50, %mul3A_267 : i32
        %add3A_269 = arith.constant 96 : i32
        %add3A_270 = arith.addi %mul3A_268, %add3A_269 : i32
        %get3A_271 = arith.index_cast %add3A_270 : i32 to index
        %get3A_272 = tpu.vector_load %arg11[%get3A_271] {strides = array<i32>} : memref<8192xi32, #tpu.memory_space<vmem>>, vector<16xi32>,
        %get3A_273 = vector.shape_cast %get3A_272 : vector<16xi32> to vector<16xi32>
        %mul3A_274 = arith.constant 128 : i32
        %mul3A_275 = arith.muli %scan3A_50, %mul3A_274 : i32
        %add3A_276 = arith.constant 96 : i32
        %add3A_277 = arith.addi %mul3A_275, %add3A_276 : i32
        %get3A_278 = arith.index_cast %add3A_277 : i32 to index
        %get3A_279 = tpu.vector_load %arg10[%get3A_278] {strides = array<i32>} : memref<8192xf32, #tpu.memory_space<vmem>>, vector<16xf32>,
        %get3A_280 = vector.shape_cast %get3A_279 : vector<16xf32> to vector<16xf32>
        %eq3A_281 = arith.cmpi eq, %get3A_273, %gather3A_69 : vector<16xi32>
        %lt3A_282 = arith.cmpi slt, %add3A_266, %select_n3A : vector<16xi32>
        %and3A_283 = arith.andi %eq3A_281, %lt3A_282 : vector<16xi1>
        %lt3A_284 = arith.constant 0 : i32
        %lt3A_285 = vector.broadcast %lt3A_284 : i32 to vector<16xi32>
        %lt3A_286 = arith.cmpi slt, %select_n3A_262, %lt3A_285 : vector<16xi32>
        %and3A_287 = arith.andi %and3A_283, %lt3A_286 : vector<16xi1>
        %select_n3A_288 = arith.select %and3A_287, %add3A_266, %select_n3A_262 : vector<16xi1>, vector<16xi32>
        %select_n3A_289 = arith.select %and3A_287, %get3A_280, %select_n3A_263 : vector<16xi1>, vector<16xf32>
        %add3A_290 = arith.constant 112 : i32
        %add3A_291 = vector.broadcast %add3A_290 : i32 to vector<16xi32>
        %add3A_292 = arith.addi %iota3A, %add3A_291 : vector<16xi32>
        %mul3A_293 = arith.constant 128 : i32
        %mul3A_294 = arith.muli %scan3A_50, %mul3A_293 : i32
        %add3A_295 = arith.constant 112 : i32
        %add3A_296 = arith.addi %mul3A_294, %add3A_295 : i32
        %get3A_297 = arith.index_cast %add3A_296 : i32 to index
        %get3A_298 = tpu.vector_load %arg11[%get3A_297] {strides = array<i32>} : memref<8192xi32, #tpu.memory_space<vmem>>, vector<16xi32>,
        %get3A_299 = vector.shape_cast %get3A_298 : vector<16xi32> to vector<16xi32>
        %mul3A_300 = arith.constant 128 : i32
        %mul3A_301 = arith.muli %scan3A_50, %mul3A_300 : i32
        %add3A_302 = arith.constant 112 : i32
        %add3A_303 = arith.addi %mul3A_301, %add3A_302 : i32
        %get3A_304 = arith.index_cast %add3A_303 : i32 to index
        %get3A_305 = tpu.vector_load %arg10[%get3A_304] {strides = array<i32>} : memref<8192xf32, #tpu.memory_space<vmem>>, vector<16xf32>,
        %get3A_306 = vector.shape_cast %get3A_305 : vector<16xf32> to vector<16xf32>
        %eq3A_307 = arith.cmpi eq, %get3A_299, %gather3A_69 : vector<16xi32>
        %lt3A_308 = arith.cmpi slt, %add3A_292, %select_n3A : vector<16xi32>
        %and3A_309 = arith.andi %eq3A_307, %lt3A_308 : vector<16xi1>
        %lt3A_310 = arith.constant 0 : i32
        %lt3A_311 = vector.broadcast %lt3A_310 : i32 to vector<16xi32>
        %lt3A_312 = arith.cmpi slt, %select_n3A_288, %lt3A_311 : vector<16xi32>
        %and3A_313 = arith.andi %and3A_309, %lt3A_312 : vector<16xi1>
        %select_n3A_314 = arith.select %and3A_313, %add3A_292, %select_n3A_288 : vector<16xi1>, vector<16xi32>
        %select_n3A_315 = arith.select %and3A_313, %get3A_306, %select_n3A_289 : vector<16xi1>, vector<16xf32>
        %lt3A_316 = arith.constant 0 : i32
        %lt3A_317 = vector.broadcast %lt3A_316 : i32 to vector<16xi32>
        %lt3A_318 = arith.cmpi slt, %select_n3A_314, %lt3A_317 : vector<16xi32>
        %sub3A = arith.constant 128 : i32
        %sub3A_319 = vector.broadcast %sub3A : i32 to vector<16xi32>
        %sub3A_320 = arith.subi %sub3A_319, %select_n3A_314 : vector<16xi32>
        %jit3A_321 = arith.constant -1 : i32
        %broadcast_in_dim3A_322 = vector.broadcast %jit3A_321 : i32 to vector<16xi32>
        %select_n3A_323 = arith.select %lt3A_318, %broadcast_in_dim3A_322, %sub3A_320 : vector<16xi1>, vector<16xi32>
        %xor3A = arith.constant 1 : i32
        %xor3A_324 = vector.broadcast %xor3A : i32 to vector<16xi32>
        %xor3A_325 = arith.xori %iota3A, %xor3A_324 : vector<16xi32>
        %broadcast_in_dim3A_326 = vector.shape_cast %xor3A_325 : vector<16xi32> to vector<16x1xi32>
        %gather3A_327 = vector.shape_cast %broadcast_in_dim3A_326 : vector<16x1xi32> to vector<16xi32>
        %gather3A_328 = tpu.dynamic_gather %select_n3A_323[%gather3A_327] in [0] : vector<16xi32>, vector<16xi32> -> vector<16xi32>
        %max3A = arith.maxsi %select_n3A_323, %gather3A_328 : vector<16xi32>
        %xor3A_329 = arith.constant 2 : i32
        %xor3A_330 = vector.broadcast %xor3A_329 : i32 to vector<16xi32>
        %xor3A_331 = arith.xori %iota3A, %xor3A_330 : vector<16xi32>
        %broadcast_in_dim3A_332 = vector.shape_cast %xor3A_331 : vector<16xi32> to vector<16x1xi32>
        %gather3A_333 = vector.shape_cast %broadcast_in_dim3A_332 : vector<16x1xi32> to vector<16xi32>
        %gather3A_334 = tpu.dynamic_gather %max3A[%gather3A_333] in [0] : vector<16xi32>, vector<16xi32> -> vector<16xi32>
        %max3A_335 = arith.maxsi %max3A, %gather3A_334 : vector<16xi32>
        %xor3A_336 = arith.constant 4 : i32
        %xor3A_337 = vector.broadcast %xor3A_336 : i32 to vector<16xi32>
        %xor3A_338 = arith.xori %iota3A, %xor3A_337 : vector<16xi32>
        %broadcast_in_dim3A_339 = vector.shape_cast %xor3A_338 : vector<16xi32> to vector<16x1xi32>
        %gather3A_340 = vector.shape_cast %broadcast_in_dim3A_339 : vector<16x1xi32> to vector<16xi32>
        %gather3A_341 = tpu.dynamic_gather %max3A_335[%gather3A_340] in [0] : vector<16xi32>, vector<16xi32> -> vector<16xi32>
        %max3A_342 = arith.maxsi %max3A_335, %gather3A_341 : vector<16xi32>
        %xor3A_343 = arith.constant 8 : i32
        %xor3A_344 = vector.broadcast %xor3A_343 : i32 to vector<16xi32>
        %xor3A_345 = arith.xori %iota3A, %xor3A_344 : vector<16xi32>
        %broadcast_in_dim3A_346 = vector.shape_cast %xor3A_345 : vector<16xi32> to vector<16x1xi32>
        %gather3A_347 = vector.shape_cast %broadcast_in_dim3A_346 : vector<16x1xi32> to vector<16xi32>
        %gather3A_348 = tpu.dynamic_gather %max3A_342[%gather3A_347] in [0] : vector<16xi32>, vector<16xi32> -> vector<16xi32>
        %max3A_349 = arith.maxsi %max3A_342, %gather3A_348 : vector<16xi32>
        %sub3A_350 = arith.constant 128 : i32
        %sub3A_351 = vector.broadcast %sub3A_350 : i32 to vector<16xi32>
        %sub3A_352 = arith.subi %sub3A_351, %select_n3A_314 : vector<16xi32>
        %eq3A_353 = arith.cmpi eq, %sub3A_352, %max3A_349 : vector<16xi32>
        %ge3A = arith.constant 0 : i32
        %ge3A_354 = vector.broadcast %ge3A : i32 to vector<16xi32>
        %ge3A_355 = arith.cmpi sge, %max3A_349, %ge3A_354 : vector<16xi32>
        %and3A_356 = arith.andi %eq3A_353, %ge3A_355 : vector<16xi1>
        %jit3A_357 = arith.constant 0.000000e+00 : f32
        %broadcast_in_dim3A_358 = vector.broadcast %jit3A_357 : f32 to vector<16xf32>
        %select_n3A_359 = arith.select %and3A_356, %select_n3A_315, %broadcast_in_dim3A_358 : vector<16xi1>, vector<16xf32>
        %xor3A_360 = arith.constant 1 : i32
        %xor3A_361 = vector.broadcast %xor3A_360 : i32 to vector<16xi32>
        %xor3A_362 = arith.xori %iota3A, %xor3A_361 : vector<16xi32>
        %broadcast_in_dim3A_363 = vector.shape_cast %xor3A_362 : vector<16xi32> to vector<16x1xi32>
        %gather3A_364 = vector.shape_cast %broadcast_in_dim3A_363 : vector<16x1xi32> to vector<16xi32>
        %gather3A_365 = tpu.dynamic_gather %select_n3A_359[%gather3A_364] in [0] : vector<16xf32>, vector<16xi32> -> vector<16xf32>
        %add3A_366 = arith.addf %select_n3A_359, %gather3A_365 : vector<16xf32>
        %xor3A_367 = arith.constant 2 : i32
        %xor3A_368 = vector.broadcast %xor3A_367 : i32 to vector<16xi32>
        %xor3A_369 = arith.xori %iota3A, %xor3A_368 : vector<16xi32>
        %broadcast_in_dim3A_370 = vector.shape_cast %xor3A_369 : vector<16xi32> to vector<16x1xi32>
        %gather3A_371 = vector.shape_cast %broadcast_in_dim3A_370 : vector<16x1xi32> to vector<16xi32>
        %gather3A_372 = tpu.dynamic_gather %add3A_366[%gather3A_371] in [0] : vector<16xf32>, vector<16xi32> -> vector<16xf32>
        %add3A_373 = arith.addf %add3A_366, %gather3A_372 : vector<16xf32>
        %xor3A_374 = arith.constant 4 : i32
        %xor3A_375 = vector.broadcast %xor3A_374 : i32 to vector<16xi32>
        %xor3A_376 = arith.xori %iota3A, %xor3A_375 : vector<16xi32>
        %broadcast_in_dim3A_377 = vector.shape_cast %xor3A_376 : vector<16xi32> to vector<16x1xi32>
        %gather3A_378 = vector.shape_cast %broadcast_in_dim3A_377 : vector<16x1xi32> to vector<16xi32>
        %gather3A_379 = tpu.dynamic_gather %add3A_373[%gather3A_378] in [0] : vector<16xf32>, vector<16xi32> -> vector<16xf32>
        %add3A_380 = arith.addf %add3A_373, %gather3A_379 : vector<16xf32>
        %xor3A_381 = arith.constant 8 : i32
        %xor3A_382 = vector.broadcast %xor3A_381 : i32 to vector<16xi32>
        %xor3A_383 = arith.xori %iota3A, %xor3A_382 : vector<16xi32>
        %broadcast_in_dim3A_384 = vector.shape_cast %xor3A_383 : vector<16xi32> to vector<16x1xi32>
        %gather3A_385 = vector.shape_cast %broadcast_in_dim3A_384 : vector<16x1xi32> to vector<16xi32>
        %gather3A_386 = tpu.dynamic_gather %add3A_380[%gather3A_385] in [0] : vector<16xf32>, vector<16xi32> -> vector<16xf32>
        %add3A_387 = arith.addf %add3A_380, %gather3A_386 : vector<16xf32>
        %mul3A_388 = arith.mulf %add3A_387, %gather3A_91 : vector<16xf32>
        %add3A_389 = arith.addf %scan3A_51, %mul3A_388 : vector<16xf32>
        %div3A_390 = arith.constant 1.600000e+01 : f32
        %div3A_391 = vector.broadcast %div3A_390 : f32 to vector<16xf32>
        %div3A_392 = arith.divf %gather3A_102, %div3A_391 : vector<16xf32>
        %add3A_393 = arith.addf %scan3A_52, %div3A_392 : vector<16xf32>
        scf.yield %add3A_389, %add3A_393 : vector<16xf32>, vector<16xf32>
      }
      %scan3A_49 = arith.constant 64 : i32
      scf.yield %scan3A_48#0, %scan3A_48#1 : vector<16xf32>, vector<16xf32>
    }
    %scan3A_14 = arith.constant 8 : i32
    %div3A = arith.constant 1.600000e+01 : f32
    %div3A_15 = vector.broadcast %div3A : f32 to vector<16xf32>
    %div3A_16 = arith.divf %scan3A_13#0, %div3A_15 : vector<16xf32>
    %swap3A = arith.constant 0 : index
    %swap3A_17 = tpu.vector_load %arg17[%swap3A] {strides = array<i32>} : memref<32xf32, #tpu.memory_space<vmem>>, vector<16xf32>,
    %swap3A_18 = vector.shape_cast %swap3A_17 : vector<16xf32> to vector<16xf32>
    %swap3A_19 = vector.shape_cast %div3A_16 : vector<16xf32> to vector<16xf32>
    tpu.vector_store %arg17[%swap3A], %swap3A_19 {strides = array<i32>} : memref<32xf32, #tpu.memory_space<vmem>>, vector<16xf32>,
    %swap3A_20 = arith.constant 16 : index
    %swap3A_21 = tpu.vector_load %arg17[%swap3A_20] {strides = array<i32>} : memref<32xf32, #tpu.memory_space<vmem>>, vector<16xf32>,
    %swap3A_22 = vector.shape_cast %swap3A_21 : vector<16xf32> to vector<16xf32>
    %swap3A_23 = vector.shape_cast %scan3A_13#1 : vector<16xf32> to vector<16xf32>
    tpu.vector_store %arg17[%swap3A_20], %swap3A_23 {strides = array<i32>} : memref<32xf32, #tpu.memory_space<vmem>>, vector<16xf32>,
    "tpu.region"() ({
      %run_scoped3A = tpu.sem_alloc : memref<!tpu.dma_semaphore, #tpu.memory_space<semaphore_mem>>
      %dma_start3A = arith.constant 0 : i32
      %dma_start3A_24 = tpu.memref_slice %arg9[%add3A, %dma_start3A] : memref<32x32xf32, #tpu.memory_space<hbm>> -> memref<1x32xf32, #tpu.memory_space<hbm>>
      %dma_start3A_25 = tpu.memref_squeeze %dma_start3A_24 : memref<1x32xf32, #tpu.memory_space<hbm>> -> memref<32xf32, #tpu.memory_space<hbm>>
      %dma_start3A_26 = arith.constant 0 : i32
      %dma_start3A_27 = tpu.memref_slice %arg9[%add3A, %dma_start3A_26] : memref<32x32xf32, #tpu.memory_space<hbm>> -> memref<1x32xf32, #tpu.memory_space<hbm>>
      %dma_start3A_28 = tpu.memref_squeeze %dma_start3A_27 : memref<1x32xf32, #tpu.memory_space<hbm>> -> memref<32xf32, #tpu.memory_space<hbm>>
      tpu.enqueue_dma source(%arg17 : memref<32xf32, #tpu.memory_space<vmem>>) target(%dma_start3A_28 : memref<32xf32, #tpu.memory_space<hbm>>) target_semaphore(%run_scoped3A : memref<!tpu.dma_semaphore, #tpu.memory_space<semaphore_mem>>)
      %dma_wait3A = arith.constant 0 : i32
      %dma_wait3A_29 = tpu.memref_slice %arg9[%add3A, %dma_wait3A] : memref<32x32xf32, #tpu.memory_space<hbm>> -> memref<1x32xf32, #tpu.memory_space<hbm>>
      %dma_wait3A_30 = tpu.memref_squeeze %dma_wait3A_29 : memref<1x32xf32, #tpu.memory_space<hbm>> -> memref<32xf32, #tpu.memory_space<hbm>>
      %dma_wait3A_31 = arith.constant 0 : i32
      %dma_wait3A_32 = tpu.memref_slice %arg9[%add3A, %dma_wait3A_31] : memref<32x32xf32, #tpu.memory_space<hbm>> -> memref<1x32xf32, #tpu.memory_space<hbm>>
      %dma_wait3A_33 = tpu.memref_squeeze %dma_wait3A_32 : memref<1x32xf32, #tpu.memory_space<hbm>> -> memref<32xf32, #tpu.memory_space<hbm>>
      tpu.wait_dma2 semaphore(%run_scoped3A : memref<!tpu.dma_semaphore, #tpu.memory_space<semaphore_mem>>) src(%arg17 : memref<32xf32, #tpu.memory_space<vmem>>) dst(%dma_wait3A_33 : memref<32xf32, #tpu.memory_space<hbm>>)
      tpu.yield
    }) : () -> ()
    return
  }
}

module attributes {stable_mosaic.version = 14 : i64} {
  func.func @_tc_reduce_body(%arg0: memref<32x32xf32, #tpu.memory_space<vmem>>, %arg1: memref<1x1xf32, #tpu.memory_space<smem>>) attributes {dimension_semantics = [], scalar_prefetch = 0 : i64, scratch_operands = 0 : i64, tpu.core_type = #tpu.core_type<tc>} {
    %get3A = arith.constant 0 : index
    %get3A_0 = arith.constant 0 : index
    %get3A_1 = vector.load %arg0[%get3A, %get3A_0] : memref<32x32xf32, #tpu.memory_space<vmem>>, vector<32x32xf32>
    %iota3A = tpu.iota {dimensions = array<i32: 1>} : vector<32x32xi32>
    %lt3A = arith.constant 16 : i32
    %lt3A_2 = vector.broadcast %lt3A : i32 to vector<32x32xi32>
    %lt3A_3 = arith.cmpi slt, %iota3A, %lt3A_2 : vector<32x32xi32>
    %jit3A = arith.constant 0.000000e+00 : f32
    %broadcast_in_dim3A = vector.broadcast %jit3A : f32 to vector<32x32xf32>
    %select_n3A = arith.select %lt3A_3, %get3A_1, %broadcast_in_dim3A : vector<32x32xi1>, vector<32x32xf32>
    %reduce_sum3A = vector.shape_cast %select_n3A : vector<32x32xf32> to vector<1x32x32xf32>
    %reduce_sum3A_4 = arith.constant dense<0.000000e+00> : vector<1xf32>
    %reduce_sum3A_5 = vector.multi_reduction <add>, %reduce_sum3A, %reduce_sum3A_4 [1, 2] : vector<1x32x32xf32> to vector<1xf32>
    %reduce_sum3A_6 = vector.shape_cast %reduce_sum3A_5 : vector<1xf32> to vector<1x1x1xf32>
    %reduce_sum3A_7 = vector.extract %reduce_sum3A_6[0, 0, 0] : f32 from vector<1x1x1xf32>
    %ge3A = arith.constant 16 : i32
    %ge3A_8 = vector.broadcast %ge3A : i32 to vector<32x32xi32>
    %ge3A_9 = arith.cmpi sge, %iota3A, %ge3A_8 : vector<32x32xi32>
    %jit3A_10 = arith.constant 0.000000e+00 : f32
    %broadcast_in_dim3A_11 = vector.broadcast %jit3A_10 : f32 to vector<32x32xf32>
    %select_n3A_12 = arith.select %ge3A_9, %get3A_1, %broadcast_in_dim3A_11 : vector<32x32xi1>, vector<32x32xf32>
    %reduce_sum3A_13 = vector.shape_cast %select_n3A_12 : vector<32x32xf32> to vector<1x32x32xf32>
    %reduce_sum3A_14 = arith.constant dense<0.000000e+00> : vector<1xf32>
    %reduce_sum3A_15 = vector.multi_reduction <add>, %reduce_sum3A_13, %reduce_sum3A_14 [1, 2] : vector<1x32x32xf32> to vector<1xf32>
    %reduce_sum3A_16 = vector.shape_cast %reduce_sum3A_15 : vector<1xf32> to vector<1x1x1xf32>
    %reduce_sum3A_17 = vector.extract %reduce_sum3A_16[0, 0, 0] : f32 from vector<1x1x1xf32>
    %neg3A = arith.constant 0.000000e+00 : f32
    %neg3A_18 = arith.subf %neg3A, %reduce_sum3A_7 : f32
    %div3A = arith.divf %neg3A_18, %reduce_sum3A_17 : f32
    %swap3A = arith.constant 0 : index
    %swap3A_19 = arith.constant 0 : index
    %swap3A_20 = memref.load %arg1[%swap3A, %swap3A_19] : memref<1x1xf32, #tpu.memory_space<smem>>
    memref.store %div3A, %arg1[%swap3A, %swap3A_19] : memref<1x1xf32, #tpu.memory_space<smem>>
    return
  }
}

</mosaic_0001>

<sc_bundles>
// kernel: kernel.4.cloned.1.call-start
scs
__scs_entry_jumppad:
0x0: {  	(pc) =	sbr.rel $0x88, $3  }
0x1: {  	(tag) =	ssettag $0x0;
	lr =	simm.s32 $0x1  }
0x2: {  	[smem:$0x3F9A] =	sst lr;
	_ =	strace $0xD0000000  }
0x3: {  	_ = 	snop  }
0x4: {  	_ = 	snop  }
0x5: {  	_ = 	snop  }
0x6: {  	_ = 	snop  }
0x7: {  	_ = 	snop  }
__scs_overlays_trampoline_lowered:
0x8: {  	[smem:$0x3FA9] =	sst s0  }
0x9: {  	[smem:$0x3FAA] =	sst s1  }
0xa: {  	[smem:$0x3FAB] =	sst s2  }
0xb: {  	[smem:$0x3FAC] =	sst s3  }
0xc: {  	[smem:$0x3FAD] =	sst s4  }
0xd: {  	[smem:$0x3FAE] =	sst s5  }
0xe: {  	[smem:$0x3FAF] =	sst s6  }
0xf: {  	[smem:$0x3FB0] =	sst s7  }
0x10: {  	[smem:$0x3FB1] =	sst s8  }
0x11: {  	[smem:$0x3FB2] =	sst s9;
	s0 =	simm.s32 @!p0 $0x0  }
0x12: {  	s1 =	sld [smem:$0x3F98];
	s0 =	simm.s32 @p0 $0x1  }
0x13: {  	[smem:$0x3FB3] =	sst s0;
	s0 =	simm.s32 @!p1 $0x0  }
0x14: {  	s2 =	sld [smem:$0x3F97];
	s0 =	simm.s32 @p1 $0x1  }
0x15: {  	[smem:$0x3FB4] =	sst s0;
	s0 =	simm.s32 @!p2 $0x0  }
0x16: {  	s3 =	sld [smem:$0x3FDB];
	s0 =	simm.s32 @p2 $0x1  }
0x17: {  	s4 =	simm.s32 $0x1BF5;
	[smem:$0x3FB6] =	sst s0  }
0x18: {  	s0 =	sld [smem:$0x3F99];
	_ =	swait.ge [sflag:s4], $0x0  }
0x19: {  	s7 =	sld [smem:$0x3F9A]  }
0x1a: {  	s8 =	sadd.s32 $0xFFFFE003, lr  }
0x1b: {  	s9 =	sadd.s32 $0xFFFFFEF7, lr;
	s5 =	simm.s32 $0xFFFFFFFF;
	p2 =	slt.u32 s8, $0xFFFFF086  }
0x1c: {  	p1 =	slt.u32 s9, $0xF7A;
	s5 =	simm.s32 @!p2 $0x0  }
0x1d: {  	s5 =	simm.s32 @p1 $0x1;
	p0 =	seq.s32 s7, s2  }
0x1e: {  	s7 =	smul.u32 @!p0 $0xF7A, s2;
	p2 =	seq.s32 @!p0 s5, $0x0  }
0x1f: {  	s9 =	smul.u32 $0xF7A, s1;
	s8 =	simm.s32 @!p0 $0x1BF5;
	p2 =	por !p2, p0  }
0x20: {  	[sflag:s8] =	ssyncset.s32 @!p0 $0xFFFFF086;
	s6 =	sadd.s32 @!p0 s3, s7;
	s7 =	simm.s32 @!p0 $0x108  }
0x21: {  	s3 =	sadd.s32 s3, s9;
	s6 =	sadd.s32 @!p0 $0x88, s6;
	s7 =	simm.s32 @p2 $0x1082  }
0x22: {  	[simem:s7], [sflag:s8] =	dma.local @!p0 [hbm:s6], $0xF7A  }
0x23: {  	s9 =	sor.u32 $0xD0000000, s2;
	s6 =	simm.s32 $0x108;
	_ =	swait.ge @!p0 [sflag:s8], $0x0  }
0x24: {  	s3 =	sadd.s32 $0x88, s3;
	s6 =	simm.s32 @!p1 $0x1082;
	[sflag:s4] =	ssyncset.s32 $0xFFFFF086  }
0x25: {  	[simem:s6], [sflag:s4] =	dma.local [hbm:s3], $0xF7A  }
0x26: {  	[smem:$0x3F9A] =	sst s1;
	(tag) =	ssettag s2;
	_ =	strace s9  }
0x27: {  	s1 =	sld [smem:$0x3FAA]  }
0x28: {  	s2 =	sld [smem:$0x3FAB]  }
0x29: {  	s4 =	sld [smem:$0x3FAD]  }
0x2a: {  	p0 =	seq.s32 s5, $0x0;
	s5 =	sld [smem:$0x3FAE]  }
0x2b: {  	s6 =	sld [smem:$0x3FAF]  }
0x2c: {  	s7 =	sld [smem:$0x3FB0]  }
0x2d: {  	s3 =	simm.s32 $0x108;
	s8 =	sld [smem:$0x3FB1]  }
0x2e: {  	s3 =	simm.s32 @!p0 $0x1082;
	s9 =	sld [smem:$0x3FB2]  }
0x2f: {  	lr =	sadd.s32 s0, s3;
	s0 =	sld [smem:$0x3FA9]  }
0x30: {  	s3 =	sld [smem:$0x3FAC]  }
0x31: {  	[smem:$0x3FB5] =	sst s10  }
0x32: {  	s10 =	sld [smem:$0x3FB3];
	_ =	sdelay $0x3  }
0x33: {  	p0 =	seq.s32 s10, $0x1;
	s10 =	sld [smem:$0x3FB5];
	_ =	sdelay $0x3  }
0x34: {  	[smem:$0x3FB5] =	sst s10  }
0x35: {  	s10 =	sld [smem:$0x3FB4];
	_ =	sdelay $0x3  }
0x36: {  	p1 =	seq.s32 s10, $0x1;
	s10 =	sld [smem:$0x3FB5];
	_ =	sdelay $0x3  }
0x37: {  	[smem:$0x3FB5] =	sst s10  }
0x38: {  	s10 =	sld [smem:$0x3FB6]  }
0x39: {  	_ = 	snop;
	(pc) =	sbr.ind lr, $3  }
0x3a: {  	_ = 	snop  }
0x3b: {  	_ = 	snop  }
0x3c: {  	p2 =	seq.s32 s10, $0x1;
	s10 =	sld [smem:$0x3FB5]  }
0x3d: {  	_ =	shalt  }
0x3e: {  	_ =	shalt  }
0x3f: {  	_ =	shalt  }
0x40: {  	_ =	shalt  }
0x41: {  	_ =	shalt  }
0x42: {  	_ =	shalt  }
0x43: {  	_ =	shalt  }
0x44: {  	_ =	shalt  }
0x45: {  	_ =	shalt  }
0x46: {  	_ =	shalt  }
0x47: {  	_ =	shalt  }
0x48: {  	_ =	shalt  }
0x49: {  	_ =	shalt  }
0x4a: {  	_ =	shalt  }
0x4b: {  	_ =	shalt  }
0x4c: {  	_ =	shalt  }
0x4d: {  	_ =	shalt  }
0x4e: {  	_ =	shalt  }
0x4f: {  	_ =	shalt  }
0x50: {  	_ =	shalt  }
0x51: {  	_ =	shalt  }
0x52: {  	_ =	shalt  }
0x53: {  	_ =	shalt  }
0x54: {  	_ =	shalt  }
0x55: {  	_ =	shalt  }
0x56: {  	_ =	shalt  }
0x57: {  	_ =	shalt  }
0x58: {  	_ =	shalt  }
0x59: {  	_ =	shalt  }
0x5a: {  	_ =	shalt  }
0x5b: {  	_ =	shalt  }
0x5c: {  	_ =	shalt  }
0x5d: {  	_ =	shalt  }
0x5e: {  	_ =	shalt  }
0x5f: {  	_ =	shalt  }
0x60: {  	_ =	shalt  }
0x61: {  	_ =	shalt  }
0x62: {  	_ =	shalt  }
0x63: {  	_ =	shalt  }
0x64: {  	_ =	shalt  }
0x65: {  	_ =	shalt  }
0x66: {  	_ =	shalt  }
0x67: {  	_ =	shalt  }
0x68: {  	_ =	shalt  }
0x69: {  	_ =	shalt  }
0x6a: {  	_ =	shalt  }
0x6b: {  	_ =	shalt  }
0x6c: {  	_ =	shalt  }
0x6d: {  	_ =	shalt  }
0x6e: {  	_ =	shalt  }
0x6f: {  	_ =	shalt  }
0x70: {  	_ =	shalt  }
0x71: {  	_ =	shalt  }
0x72: {  	_ =	shalt  }
0x73: {  	_ =	shalt  }
0x74: {  	_ =	shalt  }
0x75: {  	_ =	shalt  }
0x76: {  	_ =	shalt  }
0x77: {  	_ =	shalt  }
0x78: {  	_ =	shalt  }
0x79: {  	_ =	shalt  }
0x7a: {  	_ =	shalt  }
0x7b: {  	_ =	shalt  }
0x7c: {  	_ =	shalt  }
0x7d: {  	_ =	shalt  }
0x7e: {  	_ =	shalt  }
0x7f: {  	_ =	shalt  }
0x80: {  	_ =	shalt  }
0x81: {  	_ =	shalt  }
0x82: {  	_ =	shalt  }
0x83: {  	_ =	shalt  }
0x84: {  	_ =	shalt  }
0x85: {  	_ =	shalt  }
0x86: {  	_ =	shalt  }
0x87: {  	_ =	shalt  }
.Lfunc_end0:
.L_simem_size_0:
called_computation_lowered:
.L_overlay_start_0:
0x88: {  	s2 =	sld [smem:$0x3FD9]  }
0x89: {  	s3 =	sld [smem:$0x3FFE];
	_ =	sdelay $0x1  }
0x8a: {  	s1 =	srdreg.scid  }
0x8b: {  	s0 =	sand.u32 $0x1, s1  }
0x8c: {  	s17 =	sshll.u32 s0, $0xA;
	s2 =	sadd.s32 s3, s2  }
0x8d: {  	s2 =	sadd.s32 s2, s17  }
0x8e: {  	[smem:$0x3FC1] =	sst s2  }
0x8f: {  	_ = 	snop  }
0x90: {  	s2 =	sld [smem:$0x3FC9]  }
0x91: {  	s18 =	sld [smem:$0x3FC7]  }
0x92: {  	s4 =	sld [smem:$0x3FC6];
	(tm) =	ssettm $0x1  }
0x93: {  	s5 =	sld [smem:$0x3FFB];
	_ =	sdelay $0x3  }
0x94: {  	_ =	strace s5  }
0x95: {  	s5 =	sld [smem:$0x3FFC];
	_ =	sdelay $0x3  }
0x96: {  	_ =	strace s5  }
0x97: {  	s5 =	sld [smem:$0x3FFD];
	_ =	sdelay $0x3  }
0x98: {  	_ =	strace s5  }
0x99: {  	_ =	strace $0x8FFFFFFF  }
0x9a: {  	s19 =	sld [smem:$0x3FDB];
	_ =	sdelay $0x1  }
0x9b: {  	s6 =	simm.s32 $_scs_section_size  }
0x9c: {  	s7 =	simm.s32 $_size__tile_overlayer_lowered;
	s8 =	simm.s32 $_tile_overlayer_lowered  }
0x9d: {  	s22 =	simm.s32 $0x1BFF;
	s21 =	sshll.u32 s8, $0x1;
	s5 =	sadd.s32 s6, s19  }
0x9e: {  	s9 =	simm.s32 $0x0;
	s20 =	sshll.u32 s7, $0x1;
	s7 =	sadd.s32 s21, s5  }
0x9f: {  	[timem:s9], [sflag:s22] =	dma.local [hbm:s7], s20  }
0xa0: {  	_ =	swait.ge [sflag:s22], s20  }
0xa1: {  	s6 =	ssub.s32 $0x0, s20;
	[sflag:s22] =	ssyncset.done $0x0  }
0xa2: {  	[sflag:s22] =	ssyncadd.s32 s6;
	_ =	sdelay $0x1  }
0xa3: {  	s23 =	simm.s32 $0x1B8B  }
0xa4: {  	_ =	swait.ge [sflag:s23], $0x1  }
0xa5: {  	[sflag:s23] =	ssyncset.done $0x0  }
0xa6: {  	s25 =	simm.s32 $0x1B8E;
	s24 =	sld [smem:$0x3FFE];
	[sflag:s23] =	ssyncadd.s32 $0xFFFFFFFF  }
0xa7: {  	s26 =	simm.s32 $execute0_lowered;
	[smem:$0x3FD2] =	sst s25  }
0xa8: {  	s7 =	sshll.u32 s26, $0x1;
	_ =	strace $0x80000046;
	[dreg:$0x1] =	wrdreg $0xFFFFFFFF  }
0xa9: {  	s28 =	simm.s32 $_size_execute0_lowered;
	s5 =	sadd.s32 s5, s7;
	[dreg:$0x0] =	wrdreg $0x0  }
0xaa: {  	s7 =	sshll.u32 s28, $0x1;
	[dreg:$0x2] =	wrdreg s5  }
0xab: {  	[dreg:$0x3] =	wrdreg s7  }
0xac: {  	[dreg:$0x4] =	wrdreg $0xC0  }
0xad: {  	_ =	task [dreg:s9], $0x5FFFF  }
0xae: {  	[dreg:$0x1] =	wrdreg $0xFFFFFFFF  }
0xaf: {  	[dreg:$0x0] =	wrdreg $0x60  }
0xb0: {  	[dreg:$0x2] =	wrdreg s2  }
0xb1: {  	[dreg:$0x3] =	wrdreg s24  }
0xb2: {  	[dreg:$0x4] =	wrdreg s18  }
0xb3: {  	[dreg:$0x5] =	wrdreg s4  }
0xb4: {  	[dreg:$0x6] =	wrdreg $0x9  }
0xb5: {  	_ =	task.clear_ibuf [dreg:s9], $0x7FFFF;
	_ =	strace $0x90000046  }
0xb6: {  	s29 =	simm.s32 $0x9;
	_ =	strace $0x80000048  }
0xb7: {  	_ =	swait.ge [sflag:s29], $0x1  }
0xb8: {  	[sflag:s29] =	ssyncadd.s32 $0xFFFFFFFF  }
0xb9: {  	_ =	strace $0x90000048  }
0xba: {  	_ =	sfence  }
0xbb: {  	s30 =	sld [smem:$0x0];
	_ =	sdelay $0x2  }
0xbc: {  	s31 =	sshll.u32 s1, $0xD;
	s1 =	sshrl.u32 s1, $0x2  }
0xbd: {  	s3 =	sand.u32 $0x4000, s31;
	s1 =	sadd.s32 s1, s30  }
0xbe: {  	s0 =	sor.u32 s3, s0;
	s1 =	sshll.u32 s1, $0x11  }
0xbf: {  	s0 =	sor.u32 s1, s0  }
0xc0: {  	s0 =	sadd.s32 $0x8F2B, s0  }
0xc1: {  	[sflag:s0] =	ssyncadd.remote.s32 $0x1  }
0xc2: {  	_ =	sfence.sel $0xFFFF  }
0xc3: {  	[dreg:$0x0] =	wrdreg $0xFFFFFFFF;
	(pc) =	sbr.abs _section_cstart, $3  }
0xc4: {  	[dreg:$0x1] =	wrdreg $0xFFFFFFFF  }
0xc5: {  	_ =	task.clear_ibuf [dreg:s9], $0x2FFFF;
	_ =	strace $0x9FFFFFFF  }
0xc6: {  	(tm) =	ssettm $0x7FFFFFFF  }
0xc7: {  	_ =	shalt  }
tec
execute0_lowered:
.L_overlay_start_1:
0x0: {  	(tag) =	ssettag $0x1  }
0x1: {  	s1 =	rddreg [dreg:$0x0]  }
0x2: {  	s5 =	rddreg [dreg:$0x1];
	v1 =	vimm.f32 $1.600000000e+01  }
0x3: {  	s2 =	rddreg [dreg:$0x2];
	v4 =	vimm.s32 $0xEFCDAB89;
	v5 =	vimm.s32 $0x67452301;
	v6 =	vimm.s32 $0xDCFE98BA  }
0x4: {  	s7 =	rddreg [dreg:$0x3];
	s3 =	simm.s32 $0x0;
	v10 =	vimm.s32 $0x54761032;
	v11 =	vimm.s32 $0xBA98FEDC;
	v12 =	vimm.s32 $0x32107654  }
0x5: {  	v0 =	vlaneseq.u32;
	v13 =	vimm.s32 $0xFEDCBA98;
	v14 =	vimm.s32 $0x76543210;
	[smem:$0x7FF] =	sst s3  }
0x6: {  	s0 =	rddreg [dreg:$0x4];
	v2 =	vor.u32 $0x10, v0;
	v3 =	vor.u32 $0x20, v0;
	v7 =	vunpack.c.l.s4.s8 v4;
	_ =	strace $0x80000047  }
0x7: {  	s6 =	srdreg.scid;
	s4 =	stileid.u32;
	v4 =	vor.u32 $0x30, v0;
	v8 =	vunpack.c.l.s4.s8 v5;
	(erf) = vrcp.f32 v1  }
0x8: {  	s14 =	simm.s32 $0x1;
	s15 =	simm.s32 $0x4200;
	s16 =	simm.s32 $0x4400;
	v9 =	vunpack.c.l.s4.s8 v6;
	v5 =	vor.u32 $0x40, v0;
	v6 =	vor.u32 $0x50, v0  }
0x9: {  	s17 =	simm.s32 $0x4480;
	s18 =	simm.s32 $0x4680;
	s19 =	simm.s32 $0x2000;
	v10 =	vunpack.c.l.s4.s8 v10;
	v11 =	vunpack.c.l.s4.s8 v11;
	v12 =	vunpack.c.l.s4.s8 v12  }
0xa: {  	s20 =	simm.s32 $0x4880;
	s6 =	sand.u32 $0x1, s6;
	s8 =	sshll.u32 s4, $0x1;
	v13 =	vunpack.c.l.s4.s8 v13;
	v14 =	vunpack.c.l.s4.s8 v14;
	v7 =	vunpack.c.0.s8.s32 v7  }
0xb: {  	s21 =	simm.s32 $0x0;
	s10 =	sor.u32 s6, s8;
	s6 =	ssub.s32 $0x2, s6;
	v8 =	vunpack.c.0.s8.s32 v8;
	v9 =	vunpack.c.0.s8.s32 v9;
	v10 =	vunpack.c.0.s8.s32 v10  }
0xc: {  	s8 =	sshll.u32 s10, $0x6;
	s9 =	sshll.u32 s10, $0x4;
	s31 =	sshrl.u32 s6, $0x1;
	v11 =	vunpack.c.0.s8.s32 v11;
	v12 =	vunpack.c.0.s8.s32 v12;
	v13 =	vunpack.c.0.s8.s32 v13  }
0xd: {  	v1 =	vadd.s32 $0x1, v0;
	s7 =	sadd.s32 s7, s10;
	s10 =	sshll.u32 s10, $0xD;
	v14 =	vunpack.c.0.s8.s32 v14;
	s11 =	sadd.s32 s8, s5;
	v15 =	vcombine.low v8, v7  }
0xe: {  	s12 =	sadd.s32 s9, s5;
	s13 =	ssub.s32 s6, s31;
	s5 =	sadd.s32 $0x600, s11;
	v16 =	vcombine.low v10, v9;
	v12 =	vcombine.low v12, v11;
	v13 =	vand.u32 $0xF, v13  }
0xf: {  	s6 =	sadd.s32 $0xE00, s11;
	s8 =	sadd.s32 $0x1600, s11;
	s9 =	sadd.s32 $0x1E00, s11;
	v7 =	vor.u32 $0x60, v0;
	v8 =	vor.u32 $0x70, v0;
	v13 =	vcombine.low v13, v14  }
0x10: {  	s11 =	sadd.s32 $0x2600, s12;
	s12 =	smax.u32 s13, $0x1;
	s13 =	simm.s32 $0x4000;
	v9 =	vand.u32 $0xF, v15;
	v11 =	vand.u32 $0xF, v16;
	v12 =	vand.u32 $0xF, v12;
	v10 =	vpop (erf)  }
.LBB2_1:
0x11: {  	[tilespmem:s13], [sflag:$0x1] =	stream.linear.gather [hbm4b:s5+s3], $0x200, $0x38;
	[tilespmem:$0x4900] =	vst v63  }
0x12: {  	_ =	swait.ge [sflag:s14], $0x200  }
0x13: {  	[sflag:s14] =	ssyncset.done $0x0  }
0x14: {  	[sflag:s14] =	ssyncadd.s32 $0xFFFFFE00  }
0x15: {  	[tilespmem:s15], [sflag:$0x1] =	stream.linear.gather [hbm4b:s6+s3], $0x200, $0x38;
	[tilespmem:$0x4900] =	vst v63  }
0x16: {  	_ =	swait.ge [sflag:s14], $0x200  }
0x17: {  	[sflag:s14] =	ssyncset.done $0x0  }
0x18: {  	[sflag:s14] =	ssyncadd.s32 $0xFFFFFE00  }
0x19: {  	[tilespmem:s16], [sflag:$0x1] =	stream.linear.gather [hbm4b:s7+s3], $0x8, $0x38;
	[tilespmem:$0x4900] =	vst v63  }
0x1a: {  	_ =	swait.ge [sflag:s14], $0x8  }
0x1b: {  	[sflag:s14] =	ssyncset.done $0x0  }
0x1c: {  	[sflag:s14] =	ssyncadd.s32 $0xFFFFFFF8  }
0x1d: {  	[tilespmem:s17], [sflag:$0x1] =	stream.linear.gather [hbm4b:s8+s3], $0x200, $0x38;
	[tilespmem:$0x4900] =	vst v63  }
0x1e: {  	_ =	swait.ge [sflag:s14], $0x200  }
0x1f: {  	[sflag:s14] =	ssyncset.done $0x0  }
0x20: {  	[sflag:s14] =	ssyncadd.s32 $0xFFFFFE00  }
0x21: {  	[tilespmem:s18], [sflag:$0x1] =	stream.linear.gather [hbm4b:s9+s3], $0x200, $0x38;
	[tilespmem:$0x4900] =	vst v63  }
0x22: {  	_ =	swait.ge [sflag:s14], $0x200  }
0x23: {  	[sflag:s14] =	ssyncset.done $0x0  }
0x24: {  	[sflag:s14] =	ssyncadd.s32 $0xFFFFFE00  }
0x25: {  	v19 =	vimm.f32 $0.0e+00;
	v15 =	vimm.f32 $0.0e+00;
	s22 =	simm.s32 $0x0;
	v14 =	vld [tilespmem:$0x4400]  }
.LBB2_2:
0x26: {  	s23 =	sshll.u32 s22, $0xA  }
0x27: {  	s23 =	sadd.s32 s10, s23  }
0x28: {  	s25 =	simm.s32 $0x0;
	s24 =	sadd.s32 s1, s23  }
0x29: {  	[tilespmem:s25], [sflag:$0x1] =	stream.linear.gather [hbm4b:s24+s25], $0x2000, $0x38;
	[tilespmem:$0x4900] =	vst v63  }
0x2a: {  	_ =	swait.ge [sflag:s14], $0x2000  }
0x2b: {  	[sflag:s14] =	ssyncset.done $0x0  }
0x2c: {  	s23 =	sadd.s32 s2, s23;
	[sflag:s14] =	ssyncadd.s32 $0xFFFFE000  }
0x2d: {  	[tilespmem:s19], [sflag:$0x1] =	stream.linear.gather [hbm4b:s23+s25], $0x2000, $0x38;
	[tilespmem:$0x4900] =	vst v63  }
0x2e: {  	_ =	swait.ge [sflag:s14], $0x2000  }
0x2f: {  	s26 =	sand.u32 $0x30, s25;
	s24 =	sshll.u32 s22, $0x6;
	[sflag:s14] =	ssyncset.done $0x0  }
0x30: {  	s29 =	sor.u32 s24, s26;
	[sflag:s14] =	ssyncadd.s32 $0xFFFFE000  }
0x31: {  	v17 =	vld [tilespmem:s29+$0x4200]  }
0x32: {  	v20 =	vld [tilespmem:s29+$0x4000]  }
0x33: {  	s30 =	simm.s32 $0x2040  }
0x34: {  	v16 =	vmov s22;
	s26 =	sand.u32 $0xF, s25;
	v21 =	vld [tilespmem:s30+$0xFFFFFFD0]  }
0x35: {  	v18 =	vperm.xlane v14, v16;
	v16 =	vmov s26;
	v22 =	vld [tilespmem:s30+$0xFFFFFFC0]  }
0x36: {  	v23 =	vmov s25;
	v17 =	vperm.xlane v17, v16  }
0x37: {  	vm0 =	vlt.s32 v23, v18;
	v24 =	vld [tilespmem:s30+$0xFFFFFFE0];
	v20 =	vperm.xlane v20, v16  }
0x38: {  	v17 =	vnsel vm0, $0x0, v17  }
0x39: {  	vm0 =	veq.s32 v21, v20;
	vm1 =	vgt.s32 v17, v2  }
0x3a: {  	v21 =	vld [tilespmem:s30+$0xFFFFFFF0];
	vm2 =	vne.s32 v22, v20;
	vm3 =	vlt.s32 v17, v1;
	vm7 =	vmand vm1, vm0  }
0x3b: {  	vm3 =	vmor vm3, vm2;
	v22 =	vnsel vm7, $0xFFFFFFFF, v2  }
0x3c: {  	vm0 =	veq.s32 v24, v20;
	vm1 =	vgt.s32 v17, v3;
	v22 =	vsel vm3, v22, v0  }
0x3d: {  	v23 =	vld [tilespmem:s30+$0x0];
	vm0 =	vmand vm1, vm0;
	vm1 =	vlt.s32 v22, $0x0  }
0x3e: {  	vm6 =	vmand vm0, vm1  }
0x3f: {  	vm0 =	veq.s32 v21, v20;
	vm1 =	vgt.s32 v17, v4;
	v21 =	vsel vm6, v3, v22  }
0x40: {  	vm0 =	vmand vm1, vm0;
	v22 =	vld [tilespmem:s30+$0x10];
	vm1 =	vlt.s32 v21, $0x0  }
0x41: {  	vm0 =	vmand vm0, vm1  }
0x42: {  	vm2 =	vgt.s32 v17, v5;
	vm1 =	veq.s32 v23, v20;
	v21 =	vsel vm0, v4, v21  }
0x43: {  	v23 =	vld [tilespmem:s30+$0x20];
	vm1 =	vmand vm2, vm1;
	vm2 =	vlt.s32 v21, $0x0  }
0x44: {  	vm1 =	vmand vm1, vm2  }
0x45: {  	vm4 =	vgt.s32 v17, v6;
	vm2 =	veq.s32 v22, v20;
	v21 =	vsel vm1, v5, v21  }
0x46: {  	v22 =	vld [tilespmem:s30+$0x30];
	vm2 =	vmand vm4, vm2;
	vm4 =	vlt.s32 v21, $0x0  }
0x47: {  	vm2 =	vmand vm2, vm4  }
0x48: {  	vm5 =	vgt.s32 v17, v7;
	vm4 =	veq.s32 v23, v20;
	v21 =	vsel vm2, v6, v21  }
0x49: {  	vm4 =	vmand vm5, vm4;
	vm5 =	vlt.s32 v21, $0x0  }
0x4a: {  	s31 =	simm.s32 $0x1;
	vm4 =	vmand vm4, vm5  }
0x4b: {  	s25 =	sand.u32 $0x30, s31;
	vm8 =	vgt.s32 v17, v8;
	v17 =	vld [tilespmem:s29+$0x4480];
	vm5 =	veq.s32 v22, v20;
	v20 =	vsel vm4, v7, v21  }
0x4c: {  	s23 =	sor.u32 s24, s25;
	vm5 =	vmand vm8, vm5;
	vm8 =	vlt.s32 v20, $0x0  }
0x4d: {  	v22 =	vld [tilespmem:s23+$0x4000];
	vm5 =	vmand vm5, vm8  }
0x4e: {  	v62 =	vimm.s32 $0x0;
	s30 =	simm.s32 $0x20C0;
	v21 =	vld [tilespmem:s23+$0x4200];
	v20 =	vsel vm5, v8, v20  }
0x4f: {  	v28 =	vmov s31;
	v24 =	vld [tilespmem:s30+$0xFFFFFFD0];
	v23 =	vsub.s32 $0x80, v20;
	v20 =	vshra.s32 v20, $0x1F  }
0x50: {  	vm9 =	vlt.s32 v28, v18;
	v26 =	vperm.xlane v17, v16;
	v27 =	vld [tilespmem:s30+$0xFFFFFFE0];
	v20 =	vor.u32 v23, v20  }
0x51: {  	s28 =	sand.u32 $0xF, s31;
	vm10 =	vmmov vm3;
	vm15 =	vmmov vm6;
	v30 =	vld [tilespmem:s30+$0x0];
	v25 =	vperm.xlane v20, v9  }
0x52: {  	v17 =	vmov s28;
	v26 =	vmul.f32 v26, v10;
	vm8 =	vmmov vm7  }
0x53: {  	v29 =	vld [tilespmem:s30+$0xFFFFFFC0];
	v22 =	vperm.xlane v22, v17;
	v21 =	vperm.xlane v21, v17;
	vm7 =	vgt.s32 v20, v25  }
0x54: {  	v19 =	vadd.f32 v26, v19;
	v26 =	vimm.s32 $0x0;
	v20 =	vsel vm7, v20, v25  }
0x55: {  	s26 =	simm.s32 $0x40;
	vm3 =	veq.s32 v24, v22;
	v21 =	vnsel vm9, $0x0, v21;
	v25 =	vld [tilespmem:s30+$0xFFFFFFF0];
	v28 =	vperm.xlane v20, v11  }
0x56: {  	v24 =	vld [tilespmem:s26+$0xFFFFFFD0];
	vm11 =	veq.s32 v27, v22;
	vm13 =	veq.s32 v30, v22;
	vm6 =	vgt.s32 v21, v2  }
0x57: {  	v27 =	vld [tilespmem:s26+$0xFFFFFFC0];
	vm14 =	vgt.s32 v21, v5;
	vm6 =	vmand vm6, vm3;
	vm7 =	vgt.s32 v20, v28  }
0x58: {  	vm3 =	vne.s32 v29, v22;
	v20 =	vsel vm7, v20, v28;
	vm7 =	vlt.s32 v21, v1;
	v28 =	vld [tilespmem:s26+$0xFFFFFFE0]  }
0x59: {  	v29 =	vnsel vm6, $0xFFFFFFFF, v2;
	vm7 =	vmor vm7, vm3;
	vm3 =	vgt.s32 v21, v3  }
0x5a: {  	v31 =	vperm.xlane v20, v12;
	vm12 =	veq.s32 v25, v22;
	v25 =	vld [tilespmem:s26+$0xFFFFFFF0];
	v29 =	vsel vm7, v29, v0  }
0x5b: {  	v32 =	vld [tilespmem:s26+$0x0];
	v24 =	vnsel vm8, $0x0, v24;
	vm3 =	vmand vm3, vm11;
	vm8 =	vlt.s32 v29, $0x0  }
0x5c: {  	v24 =	vsel vm10, v24, v27;
	v27 =	vld [tilespmem:s26+$0x10];
	vm3 =	vmand vm3, vm8;
	vm8 =	vgt.s32 v20, v31  }
0x5d: {  	vm9 =	vmand vm14, vm13;
	v20 =	vsel vm8, v20, v31;
	v24 =	vsel vm15, v28, v24;
	v28 =	vld [tilespmem:s26+$0x20]  }
0x5e: {  	vm8 =	vgt.s32 v21, v4;
	v29 =	vsel vm3, v3, v29;
	v31 =	vperm.xlane v20, v13  }
0x5f: {  	vm8 =	vmand vm8, vm12;
	vm15 =	vlt.s32 v29, $0x0;
	v24 =	vsel vm0, v25, v24;
	v25 =	vld [tilespmem:s30+$0x10]  }
0x60: {  	v30 =	vld [tilespmem:s26+$0x30];
	vm7 =	vmmov vm7;
	vm0 =	vmand vm8, vm15;
	v24 =	vsel vm1, v32, v24  }
0x61: {  	vm1 =	vgt.s32 v20, v31;
	v32 =	vsel vm0, $0xFFFFFFFF, v62;
	v24 =	vsel vm2, v27, v24  }
0x62: {  	v29 =	vsel vm0, v4, v29;
	v20 =	vsel vm1, v20, v31;
	v24 =	vsel vm4, v28, v24  }
0x63: {  	vm1 =	veq.s32 v23, v20;
	vm2 =	vgt.s32 v20, $0xFFFFFFFF;
	vm4 =	vlt.s32 v29, $0x0  }
0x64: {  	v20 =	vld [tilespmem:s30+$0x20];
	vm0 =	vmand vm9, vm4;
	vm4 =	veq.s32 v25, v22;
	v25 =	vimm.s32 $0x0  }
0x65: {  	v23 =	vsel vm5, v30, v24;
	vm2 =	vmand vm1, vm2;
	v24 =	vld [tilespmem:s23+$0x4480];
	v25 =	vsel vm0, $0xFFFFFFFF, v25  }
0x66: {  	v23 =	vnsel vm2, $0x0, v23;
	vm2 =	vgt.s32 v21, v6;
	[tilespmem:$0x1FFD0] =	vst v25;
	v25 =	vsel vm0, v5, v29  }
0x67: {  	v27 =	vld [tilespmem:s30+$0x30];
	s30 =	simm.s32 $0x2;
	v28 =	vperm.xlane v23, v9;
	vm2 =	vmand vm2, vm4;
	vm4 =	vlt.s32 v25, $0x0  }
0x68: {  	vm8 =	vgt.s32 v21, v8;
	vm5 =	vgt.s32 v21, v7;
	s31 =	sand.u32 $0x30, s30;
	vm0 =	vmand vm2, vm4  }
0x69: {  	s25 =	sor.u32 s24, s31;
	v21 =	vimm.s32 $0x0;
	v23 =	vadd.f32 v23, v28;
	v26 =	vsel vm0, $0xFFFFFFFF, v26  }
0x6a: {  	s28 =	simm.s32 $0x2140;
	v30 =	vld [tilespmem:s25+$0x4200];
	vm4 =	veq.s32 v20, v22;
	v20 =	vperm.xlane v24, v17;
	[tilespmem:$0x1FFE0] =	vst v26;
	v26 =	vsel vm0, v6, v25  }
0x6b: {  	v24 =	vld [tilespmem:s28+$0x0];
	vm4 =	vmand vm5, vm4;
	v28 =	vperm.xlane v23, v11;
	vm5 =	vlt.s32 v26, $0x0  }
0x6c: {  	v25 =	vld [tilespmem:s28+$0xFFFFFFF0];
	vm0 =	vmmov vm6;
	v29 =	vmul.f32 v20, v10;
	vm4 =	vmand vm4, vm5  }
0x6d: {  	v20 =	vld [tilespmem:s29+$0x4680];
	v21 =	vsel vm0, $0xFFFFFFFF, v21;
	vm5 =	veq.s32 v27, v22;
	v63 =	vsel vm4, v7, v26  }
0x6e: {  	s29 =	sand.u32 $0xF, s30;
	v27 =	vld [tilespmem:s25+$0x4000];
	v22 =	vadd.f32 v23, v28;
	vm5 =	vmand vm8, vm5;
	vm8 =	vlt.s32 v63, $0x0  }
0x6f: {  	v31 =	vmov s30;
	[tilespmem:$0x1FFF0] =	vst v21;
	v21 =	vmov s29;
	v26 =	vld [tilespmem:s28+$0xFFFFFFE0];
	vm5 =	vmand vm5, vm8  }
0x70: {  	[tilespmem:$0x1FFC0] =	vst v32;
	s29 =	simm.s32 $0x3;
	v19 =	vadd.f32 v29, v19;
	v29 =	vld [tilespmem:s28+$0xFFFFFFC0];
	v23 =	vperm.xlane v22, v12;
	v28 =	vsel vm5, v8, v63  }
.LBB2_3:
0x71: {  	_ = 	snop  }
0x72: {  	v33 =	vsub.s32 $0x80, v28;
	v28 =	vshra.s32 v28, $0x1F;
	v22 =	vadd.f32 v22, v23  }
0x73: {  	v28 =	vor.u32 v33, v28  }
0x74: {  	v32 =	vld [tilespmem:s28+$0xFFFFFFD0];
	vm8 =	vlt.s32 v31, v18;
	v31 =	vperm.xlane v28, v9;
	v34 =	vperm.xlane v22, v13  }
0x75: {  	v20 =	vperm.xlane v20, v16;
	v23 =	vperm.xlane v27, v21  }
0x76: {  	vm10 =	vmmov vm3;
	v63 =	vld [tilespmem:$0x1FFC0];
	v16 =	vmovc v17;
	v17 =	vmovc v21;
	vm9 =	vgt.s32 v28, v31;
	v22 =	vadd.f32 v22, v34  }
0x77: {  	s26 =	sadd.s32 $0x80, s26;
	v21 =	vperm.xlane v30, v17;
	vm3 =	veq.s32 v24, v23;
	v24 =	vsel vm9, v28, v31;
	v31 =	vld [tilespmem:$0x1FFF0]  }
0x78: {  	vm11 =	veq.s32 v25, v23;
	v25 =	vperm.xlane v24, v11;
	v20 =	vmul.f32 v22, v20;
	v22 =	vld [tilespmem:s26+$0xFFFFFFD0]  }
0x79: {  	vm12 =	veq.s32 v26, v23;
	vm14 =	vne.s32 v29, v23;
	vm15 =	veq.s32 v32, v23;
	v26 =	vld [tilespmem:s26+$0xFFFFFFC0]  }
0x7a: {  	v21 =	vnsel vm8, $0x0, v21;
	vm2 =	vgt.s32 v24, v25;
	v15 =	vadd.f32 v20, v15;
	v20 =	vld [tilespmem:s26+$0xFFFFFFE0]  }
0x7b: {  	v28 =	vld [tilespmem:s26+$0xFFFFFFF0];
	vm0 =	vgt.s32 v21, v3;
	vm8 =	vgt.s32 v21, v2;
	v24 =	vsel vm2, v24, v25  }
0x7c: {  	vm6 =	vlt.s32 v21, v1;
	v29 =	vperm.xlane v24, v12;
	vm2 =	vnez.u8 v31  }
0x7d: {  	vm9 =	vmand vm8, vm15;
	vm8 =	vmor vm6, vm14;
	v22 =	vnsel vm2, $0x0, v22  }
0x7e: {  	v25 =	vnsel vm9, $0xFFFFFFFF, v2;
	vm2 =	vgt.s32 v24, v29;
	v22 =	vsel vm7, v22, v26  }
0x7f: {  	v24 =	vsel vm2, v24, v29;
	v20 =	vsel vm10, v20, v22;
	vm2 =	vnez.u8 v63  }
0x80: {  	vm1 =	vgt.s32 v21, v5;
	v25 =	vsel vm8, v25, v0;
	v20 =	vsel vm2, v28, v20;
	v28 =	vld [tilespmem:$0x1FFD0]  }
0x81: {  	vm0 =	vmand vm0, vm12;
	vm12 =	vmand vm1, vm3;
	vm1 =	vlt.s32 v25, $0x0  }
0x82: {  	vm3 =	vmand vm0, vm1  }
0x83: {  	vm13 =	vgt.s32 v21, v4;
	v25 =	vsel vm3, v3, v25  }
0x84: {  	vm0 =	vmand vm13, vm11;
	vm1 =	vlt.s32 v25, $0x0  }
0x85: {  	vm1 =	vmand vm0, vm1;
	vm0 =	vnez.u8 v28;
	v28 =	vimm.s32 $0x0  }
0x86: {  	v30 =	vld [tilespmem:s26+$0x0];
	v28 =	vsel vm1, $0xFFFFFFFF, v28  }
0x87: {  	[tilespmem:$0x1FFC0] =	vst v28;
	v28 =	vld [tilespmem:$0x1FFE0]  }
0x88: {  	v31 =	vld [tilespmem:s26+$0x10]  }
0x89: {  	v26 =	vld [tilespmem:s26+$0x20]  }
0x8a: {  	v22 =	vld [tilespmem:s26+$0x30];
	v29 =	vperm.xlane v24, v13  }
0x8b: {  	v62 =	vld [tilespmem:s28+$0x10];
	v25 =	vsel vm1, v4, v25  }
0x8c: {  	v20 =	vsel vm0, v30, v20;
	vm0 =	vgt.s32 v24, v29;
	vm1 =	vnez.u8 v28  }
0x8d: {  	vm2 =	vlt.s32 v25, $0x0;
	v24 =	vsel vm0, v24, v29;
	v20 =	vsel vm1, v31, v20  }
0x8e: {  	vm2 =	vmand vm12, vm2;
	vm0 =	veq.s32 v33, v24;
	v20 =	vsel vm4, v26, v20  }
0x8f: {  	vm1 =	vgt.s32 v24, $0xFFFFFFFF;
	v20 =	vsel vm5, v22, v20;
	v22 =	vimm.s32 $0x0  }
0x90: {  	vm0 =	vmand vm0, vm1;
	vm1 =	veq.s32 v62, v23;
	v22 =	vsel vm2, $0xFFFFFFFF, v22  }
0x91: {  	v27 =	vld [tilespmem:s25+$0x4480];
	v20 =	vnsel vm0, $0x0, v20;
	vm0 =	vgt.s32 v21, v6;
	[tilespmem:$0x1FFD0] =	vst v22;
	v22 =	vsel vm2, v5, v25  }
0x92: {  	v26 =	vld [tilespmem:s28+$0x20];
	v24 =	vperm.xlane v20, v9;
	vm0 =	vmand vm0, vm1;
	vm1 =	vlt.s32 v22, $0x0  }
0x93: {  	vm0 =	vmand vm0, vm1  }
0x94: {  	v28 =	vld [tilespmem:s28+$0x30];
	v29 =	vadd.f32 v20, v24;
	vm1 =	vmmov vm9;
	v20 =	vimm.s32 $0x0  }
0x95: {  	v20 =	vsel vm1, $0xFFFFFFFF, v20  }
0x96: {  	v27 =	vperm.xlane v27, v17;
	s28 =	sadd.s32 $0x80, s28;
	v22 =	vsel vm0, v6, v22;
	[tilespmem:$0x1FFF0] =	vst v20;
	v20 =	vimm.s32 $0x0  }
0x97: {  	v25 =	vld [tilespmem:s28+$0xFFFFFFF0];
	vm1 =	vgt.s32 v21, v7;
	v20 =	vsel vm0, $0xFFFFFFFF, v20;
	vm0 =	veq.s32 v26, v23  }
0x98: {  	p0 =	sne.s32 s29, $0x3F;
	s30 =	sand.u32 $0x30, s29;
	vm7 =	vmmov vm8;
	v24 =	vld [tilespmem:s28+$0x0];
	vm0 =	vmand vm1, vm0;
	vm1 =	vlt.s32 v22, $0x0  }
.Ltmp0:
0x99: {  	v26 =	vperm.xlane v29, v11;
	[tilespmem:$0x1FFE0] =	vst v20;
	v20 =	vld [tilespmem:s23+$0x4680];
	s23 =	smov.u32 s25;
	s25 =	sor.u32 s24, s30;
	vm4 =	vmand vm0, vm1;
	vm0 =	veq.s32 v28, v23;
	(pc) =	sbr.rel @p0 .LBB2_3-.Ltmp0, $4  }
0x9a: {  	v23 =	vmul.f32 v27, v10;
	v27 =	vld [tilespmem:s25+$0x4000];
	vm1 =	vgt.s32 v21, v8;
	v28 =	vsel vm4, v7, v22  }
0x9b: {  	s31 =	sand.u32 $0xF, s29;
	v30 =	vld [tilespmem:s25+$0x4200];
	v22 =	vadd.f32 v29, v26;
	vm0 =	vmand vm1, vm0;
	vm1 =	vlt.s32 v28, $0x0  }
0x9c: {  	v31 =	vmov s29;
	v21 =	vmov s31;
	v26 =	vld [tilespmem:s28+$0xFFFFFFE0];
	vm5 =	vmand vm0, vm1  }
0x9d: {  	s29 =	sadd.s32 $0x1, s29;
	v29 =	vld [tilespmem:s28+$0xFFFFFFC0];
	v19 =	vadd.f32 v23, v19;
	v23 =	vperm.xlane v22, v12;
	v28 =	vsel vm5, v8, v28  }
0x9e: {  	v32 =	vld [tilespmem:s28+$0xFFFFFFD0];
	_ =	sdelay $0x1  }
0x9f: {  	v30 =	vperm.xlane v30, v21  }
0xa0: {  	vm0 =	vlt.s32 v31, v18;
	v27 =	vperm.xlane v27, v21  }
0xa1: {  	v18 =	vnsel vm0, $0x0, v30  }
0xa2: {  	vm12 =	veq.s32 v32, v27;
	vm1 =	vgt.s32 v18, v2  }
0xa3: {  	vm2 =	vne.s32 v29, v27;
	vm6 =	vlt.s32 v18, v1;
	vm9 =	vmand vm1, vm12  }
0xa4: {  	vm8 =	vmor vm6, vm2;
	v45 =	vnsel vm9, $0xFFFFFFFF, v2  }
0xa5: {  	vm13 =	veq.s32 v26, v27;
	vm14 =	vgt.s32 v18, v3;
	v46 =	vsel vm8, v45, v0  }
0xa6: {  	vm0 =	vmand vm14, vm13;
	vm15 =	vlt.s32 v46, $0x0  }
0xa7: {  	vm10 =	vmand vm0, vm15  }
0xa8: {  	vm11 =	vgt.s32 v18, v4;
	vm6 =	veq.s32 v25, v27;
	v47 =	vsel vm10, v3, v46  }
0xa9: {  	v48 =	vld [tilespmem:s28+$0x10];
	vm0 =	vmand vm11, vm6;
	vm12 =	vlt.s32 v47, $0x0  }
0xaa: {  	vm11 =	vmand vm0, vm12  }
0xab: {  	vm13 =	veq.s32 v24, v27;
	vm14 =	vgt.s32 v18, v5;
	v49 =	vsel vm11, v4, v47  }
0xac: {  	v50 =	vld [tilespmem:s28+$0x20];
	vm0 =	vmand vm14, vm13;
	vm15 =	vlt.s32 v49, $0x0  }
0xad: {  	vm12 =	vmand vm0, vm15  }
0xae: {  	vm6 =	veq.s32 v48, v27;
	vm13 =	vgt.s32 v18, v6;
	v24 =	vsel vm12, v5, v49  }
0xaf: {  	v51 =	vld [tilespmem:s28+$0x30];
	vm0 =	vmand vm13, vm6;
	vm14 =	vlt.s32 v24, $0x0  }
0xb0: {  	v52 =	vshra.s32 v28, $0x1F;
	v29 =	vsub.s32 $0x80, v28;
	vm13 =	vmand vm0, vm14  }
0xb1: {  	vm15 =	veq.s32 v50, v27;
	vm6 =	vgt.s32 v18, v7;
	v24 =	vsel vm13, v6, v24  }
0xb2: {  	v53 =	vor.u32 v29, v52;
	vm0 =	vmand vm6, vm15;
	vm14 =	vlt.s32 v24, $0x0  }
0xb3: {  	v35 =	vld [tilespmem:$0x1FFF0];
	v28 =	vperm.xlane v53, v9;
	vm14 =	vmand vm0, vm14  }
0xb4: {  	v36 =	vld [tilespmem:$0x1FFC0];
	vm15 =	veq.s32 v51, v27;
	vm6 =	vgt.s32 v18, v8;
	v24 =	vsel vm14, v7, v24  }
0xb5: {  	s24 =	sadd.s32 $0x80, s26;
	v43 =	vld [tilespmem:$0x1FFD0];
	vm0 =	vmand vm6, vm15;
	vm6 =	vgt.s32 v53, v28;
	vm15 =	vlt.s32 v24, $0x0  }
0xb6: {  	v54 =	vld [tilespmem:s24+$0xFFFFFFD0];
	v18 =	vsel vm6, v53, v28;
	vm15 =	vmand vm0, vm15  }
0xb7: {  	v56 =	vld [tilespmem:s24+$0xFFFFFFC0];
	v55 =	vperm.xlane v18, v11;
	v24 =	vsel vm15, v8, v24  }
0xb8: {  	v58 =	vld [tilespmem:s24+$0xFFFFFFE0];
	v57 =	vsub.s32 $0x80, v24;
	v24 =	vshra.s32 v24, $0x1F  }
0xb9: {  	v59 =	vld [tilespmem:s24+$0xFFFFFFF0];
	vm0 =	vgt.s32 v18, v55;
	v24 =	vor.u32 v57, v24  }
0xba: {  	v61 =	vld [tilespmem:s24+$0x0];
	v18 =	vsel vm0, v18, v55;
	v60 =	vperm.xlane v24, v9  }
0xbb: {  	v34 =	vld [tilespmem:s24+$0x10];
	vm6 =	vnez.u8 v35;
	v33 =	vperm.xlane v18, v12  }
0xbc: {  	v62 =	vld [tilespmem:s24+$0x20];
	v25 =	vnsel vm6, $0x0, v54;
	vm0 =	vgt.s32 v24, v60  }
0xbd: {  	v45 =	vld [tilespmem:$0x1FFE0];
	v25 =	vsel vm7, v25, v56;
	vm6 =	vgt.s32 v18, v33;
	v24 =	vsel vm0, v24, v60  }
0xbe: {  	v63 =	vld [tilespmem:s24+$0x30];
	s24 =	sadd.s32 $0x80, s24;
	v18 =	vsel vm6, v18, v33;
	vm0 =	vmmov vm3;
	v40 =	vperm.xlane v24, v11  }
0xbf: {  	v41 =	vld [tilespmem:s24+$0xFFFFFFD0];
	vm7 =	vnez.u8 v36;
	v33 =	vperm.xlane v18, v13;
	v25 =	vsel vm0, v58, v25  }
0xc0: {  	v42 =	vld [tilespmem:s24+$0xFFFFFFC0];
	v25 =	vsel vm7, v59, v25;
	vm7 =	vnez.u8 v43;
	vm6 =	vgt.s32 v24, v40  }
0xc1: {  	v44 =	vld [tilespmem:s24+$0xFFFFFFE0];
	v25 =	vsel vm7, v61, v25;
	vm7 =	vgt.s32 v18, v33;
	v24 =	vsel vm6, v24, v40  }
0xc2: {  	v46 =	vld [tilespmem:s24+$0xFFFFFFF0];
	vm6 =	vnez.u8 v45;
	v18 =	vsel vm7, v18, v33;
	v47 =	vperm.xlane v24, v12  }
0xc3: {  	v48 =	vld [tilespmem:s24+$0x0];
	vm7 =	vmmov vm8;
	v25 =	vsel vm6, v34, v25;
	vm6 =	vmmov vm9  }
0xc4: {  	v49 =	vld [tilespmem:s24+$0x10];
	vm9 =	vmmov vm10;
	v30 =	vnsel vm6, $0x0, v41;
	vm8 =	vgt.s32 v24, v47  }
0xc5: {  	v50 =	vld [tilespmem:s24+$0x20];
	vm10 =	veq.s32 v29, v18;
	v30 =	vsel vm7, v30, v42;
	v24 =	vsel vm8, v24, v47  }
0xc6: {  	v51 =	vld [tilespmem:s24+$0x30];
	v25 =	vsel vm4, v62, v25;
	v26 =	vsel vm9, v44, v30;
	v52 =	vperm.xlane v24, v13  }
0xc7: {  	v25 =	vsel vm5, v63, v25;
	v26 =	vsel vm11, v46, v26;
	vm11 =	vgt.s32 v18, $0xFFFFFFFF  }
0xc8: {  	vm0 =	vmand vm10, vm11;
	v18 =	vsel vm12, v48, v26;
	vm12 =	vgt.s32 v24, v52  }
0xc9: {  	v25 =	vnsel vm0, $0x0, v25;
	v18 =	vsel vm13, v49, v18;
	v24 =	vsel vm12, v24, v52  }
0xca: {  	v18 =	vsel vm14, v50, v18;
	vm14 =	veq.s32 v57, v24;
	vm1 =	vgt.s32 v24, $0xFFFFFFFF  }
0xcb: {  	v53 =	vperm.xlane v25, v9;
	v18 =	vsel vm15, v51, v18;
	vm0 =	vmand vm14, vm1  }
0xcc: {  	v18 =	vnsel vm0, $0x0, v18  }
0xcd: {  	v24 =	vadd.f32 v25, v53;
	v54 =	vperm.xlane v18, v9;
	_ =	sdelay $0x1  }
0xce: {  	v55 =	vperm.xlane v24, v11;
	v18 =	vadd.f32 v18, v54;
	_ =	sdelay $0x1  }
0xcf: {  	v24 =	vadd.f32 v24, v55;
	v25 =	vperm.xlane v18, v11  }
0xd0: {  	v22 =	vadd.f32 v22, v23  }
0xd1: {  	v56 =	vperm.xlane v24, v12;
	v18 =	vadd.f32 v18, v25  }
0xd2: {  	v58 =	vld [tilespmem:s23+$0x4680];
	v57 =	vperm.xlane v22, v13  }
0xd3: {  	v59 =	vld [tilespmem:s25+$0x4480];
	v23 =	vadd.f32 v24, v56;
	v60 =	vperm.xlane v18, v12  }
0xd4: {  	v16 =	vperm.xlane v20, v16;
	v61 =	vld [tilespmem:s25+$0x4680];
	v20 =	vadd.f32 v22, v57  }
0xd5: {  	v62 =	vperm.xlane v23, v13;
	v18 =	vadd.f32 v18, v60  }
0xd6: {  	v16 =	vmul.f32 v20, v16  }
0xd7: {  	s22 =	sadd.s32 $0x1, s22;
	v17 =	vperm.xlane v58, v17;
	v20 =	vadd.f32 v23, v62;
	v63 =	vperm.xlane v18, v13  }
0xd8: {  	p0 =	sne.s32 s22, $0x8;
	v15 =	vadd.f32 v16, v15;
	v16 =	vperm.xlane v59, v21  }
.Ltmp1:
0xd9: {  	v17 =	vmul.f32 v20, v17;
	v20 =	vperm.xlane v61, v21;
	v18 =	vadd.f32 v18, v63;
	(pc) =	sbr.rel @p0 .LBB2_2-.Ltmp1, $3  }
0xda: {  	_ = 	snop  }
0xdb: {  	v16 =	vmul.f32 v16, v10;
	v15 =	vadd.f32 v17, v15;
	v17 =	vmul.f32 v18, v20;
	_ =	sdelay $0x1  }
0xdc: {  	v19 =	vadd.f32 v16, v19;
	v15 =	vadd.f32 v17, v15  }
0xdd: {  	_ = 	snop  }
0xde: {  	s21 =	sadd.s32 $0x1, s21;
	v14 =	vmul.f32 v15, v10  }
0xdf: {  	[tilespmem:$0x4890] =	vst v19;
	p0 =	sne.s32 s21, s12  }
.Ltmp2:
0xe0: {  	[tilespmem:$0x4880] =	vst v14;
	(pc) =	sbr.rel @p0 .LBB2_1-.Ltmp2, $4  }
0xe1: {  	[hbm4b:s11+s3] =	stream.linear.scatter [tilespmem:s20], [sflag:$0x1], $0x80, $0x38;
	[tilespmem:$0x4900] =	vst v63  }
0xe2: {  	_ =	swait.ge [sflag:s14], $0x80  }
0xe3: {  	[sflag:s14] =	ssyncset.done $0x0  }
0xe4: {  	[sflag:s14] =	ssyncadd.s32 $0xFFFFFF80  }
0xe5: {  	_ =	sfence.sel $0x180000  }
0xe6: {  	[bflag:$0x0] =	sbarrier.arrive $0xFFFF  }
0xe7: {  	p0 =	sne.s32 s4, $0x0;
	_ =	strace $0x90000047  }
0xe8: {  	s0 =	sadd.s32 @!p0 $0x100000, s0;
	[bflag:$0x2] =	sbarrier.arrive $0xFFFF  }
0xe9: {  	[sflag:s0] =	ssyncadd.tile.s32 @!p0 $0x1;
	_ =	shalt  }
.Lfunc_end2:
_tile_overlayer_lowered:
.L_overlay_start_2:
0xea: {  	(tag) =	ssettag $0x2  }
0xeb: {  	s0 =	rddreg [dreg:$0x0];
	s2 =	stileid.u32  }
0xec: {  	s1 =	rddreg [dreg:$0x1];
	p0 =	sne.s32 s2, $0x0  }
0xed: {  	s3 =	rddreg [dreg:$0x2];
	[bflag:$0x3] =	sbarrier.arrive $0xFFFF;
	s2 =	simm.s32 @!p0 $0x1C01  }
0xee: {  	[timem:s3], [sflag:s2] =	dma.local @!p0 [hbm:s0], s1  }
0xef: {  	s0 =	simm.s32 @!p0 $0x1  }
0xf0: {  	_ =	swait.ge @!p0 [sflag:s0], s1  }
0xf1: {  	s1 =	ssub.s32 @!p0 $0x0, s1;
	[sflag:s0] =	ssyncset.done @!p0 $0x0  }
0xf2: {  	[sflag:s0] =	ssyncadd.s32 @!p0 s1  }
0xf3: {  	[bflag:$0x3] =	sbarrier.arrive $0xFFFF  }
0xf4: {  	_ =	shalt  }

</sc_bundles>
